<compile_context>
chip_gen: v7x
topology: tpu7x:2x2x1
jax: 0.10.2.dev20260603
libtpu: 0.0.44.dev20260713+nightly
codegen_flags: <defaults>
</compile_context>

<pallas_src>
import jax
import jax.numpy as jnp
from jax import lax
from jax.experimental import pallas as pl
from jax.experimental.pallas import tpu as pltpu
from jax.experimental.pallas import tpu_sc as plsc

BATCH = 16384
NUM_FACTORS = 32
LANES = 16
NUM_WORKERS = 32
B_PER_W = BATCH // NUM_WORKERS
Q = 4
NITER = B_PER_W // (2 * Q)
IDX_PAD = B_PER_W + LANES


def _fire(tab_u, tab_i, lu, li, lane0, buf_u, buf_i, sem):
    for k in range(Q):
        su = lu[lane0 + k]
        si = li[lane0 + k]
        au = pl.multiple_of(su & -128, 128)
        ai = pl.multiple_of(si & -128, 128)
        pltpu.async_copy(tab_u.at[:, pl.ds(au, 128)], buf_u.at[k], sem)
        pltpu.async_copy(tab_i.at[:, pl.ds(ai, 128)], buf_i.at[k], sem)


def _drain(tab_u, buf_u, buf_i, sem):
    for k in range(Q):
        pltpu.make_async_copy(tab_u.at[:, pl.ds(0, 128)], buf_u.at[k], sem).wait()
        pltpu.make_async_copy(tab_u.at[:, pl.ds(0, 128)], buf_i.at[k], sem).wait()


def _compute(lu, li, lane0, acc_lane0, buf_u, buf_i, lane16, acc):
    for k in range(Q):
        cu = jnp.full((LANES,), lu[lane0 + k] & 127, jnp.int32)
        ci = jnp.full((LANES,), li[lane0 + k] & 127, jnp.int32)
        uu0 = plsc.load_gather(buf_u.at[k], [lane16, cu])
        uu1 = plsc.load_gather(buf_u.at[k], [lane16 + LANES, cu])
        vv0 = plsc.load_gather(buf_i.at[k], [lane16, ci])
        vv1 = plsc.load_gather(buf_i.at[k], [lane16 + LANES, ci])
        p = uu0 * vv0 + uu1 * vv1
        acc = jnp.where(lane16 == acc_lane0 + k, jnp.sum(p), acc)
    return acc


def _body(user_hbm, item_hbm, ut_hbm, it_hbm, out_hbm,
          idx_u, idx_i, bufa_u, bufa_i, bufb_u, bufb_i, out_v, sema, semb):
    wid = lax.axis_index("s") * 2 + lax.axis_index("c")
    base = wid * B_PER_W

    pltpu.sync_copy(user_hbm.at[pl.ds(base, B_PER_W)],
                    idx_u.at[pl.ds(0, B_PER_W)])
    pltpu.sync_copy(item_hbm.at[pl.ds(base, B_PER_W)],
                    idx_i.at[pl.ds(0, B_PER_W)])

    lane16 = lax.iota(jnp.int32, LANES)

    lu0 = idx_u[pl.ds(0, LANES)]
    li0 = idx_i[pl.ds(0, LANES)]
    _fire(ut_hbm, it_hbm, lu0, li0, 0, bufa_u, bufa_i, sema)

    def iter_body(j, acc):
        lu = idx_u[pl.ds(j * 8, LANES)]
        li = idx_i[pl.ds(j * 8, LANES)]
        acc_l0 = (j % 2) * 8

        _fire(ut_hbm, it_hbm, lu, li, 4, bufb_u, bufb_i, semb)
        _drain(ut_hbm, bufa_u, bufa_i, sema)
        acc = _compute(lu, li, 0, acc_l0, bufa_u, bufa_i, lane16, acc)

        @pl.when(j < NITER - 1)
        def _():
            _fire(ut_hbm, it_hbm, lu, li, 8, bufa_u, bufa_i, sema)

        _drain(ut_hbm, bufb_u, bufb_i, semb)
        acc = _compute(lu, li, 4, acc_l0 + 4, bufb_u, bufb_i, lane16, acc)

        @pl.when(j % 2 == 1)
        def _():
            out_v[pl.ds((j // 2) * LANES, LANES)] = acc

        return jnp.where(j % 2 == 1, jnp.zeros((LANES,), jnp.float32), acc)

    lax.fori_loop(0, NITER, iter_body, jnp.zeros((LANES,), jnp.float32))

    pltpu.sync_copy(out_v, out_hbm.at[pl.ds(base, B_PER_W)])


@jax.jit
def _mf_dot(user, item, user_factors, item_factors):
    ut = user_factors.T
    it = item_factors.T
    mesh = plsc.VectorSubcoreMesh(core_axis_name="c", subcore_axis_name="s")
    return pl.kernel(
        _body,
        out_type=jax.ShapeDtypeStruct((BATCH,), jnp.float32),
        mesh=mesh,
        compiler_params=pltpu.CompilerParams(needs_layout_passes=False),
        scratch_types=[
            pltpu.VMEM((IDX_PAD,), jnp.int32),
            pltpu.VMEM((IDX_PAD,), jnp.int32),
            pltpu.VMEM((Q, NUM_FACTORS, 128), jnp.float32),
            pltpu.VMEM((Q, NUM_FACTORS, 128), jnp.float32),
            pltpu.VMEM((Q, NUM_FACTORS, 128), jnp.float32),
            pltpu.VMEM((Q, NUM_FACTORS, 128), jnp.float32),
            pltpu.VMEM((B_PER_W,), jnp.float32),
            pltpu.SemaphoreType.DMA,
            pltpu.SemaphoreType.DMA,
        ],
    )(user, item, ut, it)


def kernel(user, item, user_factors, item_factors):
    return _mf_dot(user.astype(jnp.int32), item.astype(jnp.int32),
                   user_factors, item_factors)

# --- scband reference (transcript-rebuilt; emitter-appended) ---
"""Pipeline reference for scband-matrix-factorization-618475290750 (READ-ONLY COPY).

The authoritative reference and input builder live on the scoring server;
editing this copy changes nothing except your own understanding.
"""

import jax, jax.numpy as jnp
import numpy as np

NUM_USERS = 1000000
NUM_ITEMS = 1000000
NUM_FACTORS = 32
BATCH = 16384

def setup_inputs(seed: int = 0) -> dict:
    key = jax.random.key(seed)
    k1, k2, k3, k4 = jax.random.split(key, 4)
    user = jax.random.randint(k1, (BATCH,), 0, NUM_USERS, dtype=jnp.int64) if jax.config.jax_enable_x64 else jax.random.randint(k1, (BATCH,), 0, NUM_USERS, dtype=jnp.int32)
    item = jax.random.randint(k2, (BATCH,), 0, NUM_ITEMS, dtype=user.dtype)
    user_factors = jax.random.normal(k3, (NUM_USERS, NUM_FACTORS), dtype=jnp.float32)
    item_factors = jax.random.normal(k4, (NUM_ITEMS, NUM_FACTORS), dtype=jnp.float32)
    return {"user": user, "item": item, "user_factors": user_factors, "item_factors": item_factors}

def reference(user, item, user_factors, item_factors):
    # nn.Embedding lookup -> gather rows, then elementwise product and sum over factor dim
    u = jnp.take(user_factors, user, axis=0)  # [B, F]
    v = jnp.take(item_factors, item, axis=0)  # [B, F]
    return (u * v).sum(axis=1)  # [B]

if __name__ == "__main__":
    import jax
    _d = setup_inputs()
    print(jax.jit(kernel)(*tuple(_d.values())))

</pallas_src>

<mosaic_0001>
#map = affine_map<(d0, d1) -> (0)>
#map1 = affine_map<(d0, d1) -> (0, 0)>
module attributes {stable_mosaic.version = 14 : i64} {
  func.func @_body(%arg0: i32, %arg1: i32, %arg2: memref<16384xi32, #tpu.memory_space<hbm>>, %arg3: memref<16384xi32, #tpu.memory_space<hbm>>, %arg4: memref<32x1000000xf32, #tpu.memory_space<hbm>>, %arg5: memref<32x1000000xf32, #tpu.memory_space<hbm>>, %arg6: memref<16384xf32, #tpu.memory_space<hbm>>, %arg7: memref<528xi32, #tpu.memory_space<vmem>>, %arg8: memref<528xi32, #tpu.memory_space<vmem>>, %arg9: memref<4x32x128xf32, #tpu.memory_space<vmem>>, %arg10: memref<4x32x128xf32, #tpu.memory_space<vmem>>, %arg11: memref<4x32x128xf32, #tpu.memory_space<vmem>>, %arg12: memref<4x32x128xf32, #tpu.memory_space<vmem>>, %arg13: memref<512xf32, #tpu.memory_space<vmem>>, %arg14: memref<!tpu.dma_semaphore, #tpu.memory_space<semaphore_mem>>, %arg15: memref<!tpu.dma_semaphore, #tpu.memory_space<semaphore_mem>>) attributes {dimension_semantics = [#tpu.dimension_semantics<core_parallel>, #tpu.dimension_semantics<subcore_parallel>], iteration_bounds = array<i64: 2, 16>, scalar_prefetch = 0 : i64, scratch_operands = 9 : i64, tpu.core_type = #tpu.core_type<sc_vector_subcore>, window_params = [{transform_indices = #map}, {transform_indices = #map}, {transform_indices = #map1}, {transform_indices = #map1}, {transform_indices = #map}]} {
    %mul3A = arith.constant 2 : i32
    %mul3A_0 = arith.muli %arg1, %mul3A : i32
    %add3A = arith.addi %mul3A_0, %arg0 : i32
    %mul3A_1 = arith.constant 512 : i32
    %mul3A_2 = arith.muli %add3A, %mul3A_1 : i32
    "tpu.region"() ({
      %run_scoped3A = tpu.sem_alloc : memref<!tpu.dma_semaphore, #tpu.memory_space<semaphore_mem>>
      %dma_start3A_151 = arith.constant 0 : i32
      %dma_start3A_152 = tpu.memref_slice %arg7[%dma_start3A_151] : memref<528xi32, #tpu.memory_space<vmem>> -> memref<512xi32, #tpu.memory_space<vmem>>
      %dma_start3A_153 = tpu.memref_slice %arg2[%mul3A_2] : memref<16384xi32, #tpu.memory_space<hbm>> -> memref<512xi32, #tpu.memory_space<hbm>>
      %dma_start3A_154 = arith.constant 0 : i32
      %dma_start3A_155 = tpu.memref_slice %arg7[%dma_start3A_154] : memref<528xi32, #tpu.memory_space<vmem>> -> memref<512xi32, #tpu.memory_space<vmem>>
      %dma_start3A_156 = tpu.memref_slice %arg2[%mul3A_2] : memref<16384xi32, #tpu.memory_space<hbm>> -> memref<512xi32, #tpu.memory_space<hbm>>
      tpu.enqueue_dma source(%dma_start3A_156 : memref<512xi32, #tpu.memory_space<hbm>>) target(%dma_start3A_155 : memref<512xi32, #tpu.memory_space<vmem>>) target_semaphore(%run_scoped3A : memref<!tpu.dma_semaphore, #tpu.memory_space<semaphore_mem>>)
      %dma_wait3A = arith.constant 0 : i32
      %dma_wait3A_157 = tpu.memref_slice %arg7[%dma_wait3A] : memref<528xi32, #tpu.memory_space<vmem>> -> memref<512xi32, #tpu.memory_space<vmem>>
      %dma_wait3A_158 = tpu.memref_slice %arg2[%mul3A_2] : memref<16384xi32, #tpu.memory_space<hbm>> -> memref<512xi32, #tpu.memory_space<hbm>>
      %dma_wait3A_159 = arith.constant 0 : i32
      %dma_wait3A_160 = tpu.memref_slice %arg7[%dma_wait3A_159] : memref<528xi32, #tpu.memory_space<vmem>> -> memref<512xi32, #tpu.memory_space<vmem>>
      %dma_wait3A_161 = tpu.memref_slice %arg2[%mul3A_2] : memref<16384xi32, #tpu.memory_space<hbm>> -> memref<512xi32, #tpu.memory_space<hbm>>
      tpu.wait_dma2 semaphore(%run_scoped3A : memref<!tpu.dma_semaphore, #tpu.memory_space<semaphore_mem>>) src(%dma_wait3A_161 : memref<512xi32, #tpu.memory_space<hbm>>) dst(%dma_wait3A_160 : memref<512xi32, #tpu.memory_space<vmem>>)
      tpu.yield
    }) : () -> ()
    "tpu.region"() ({
      %run_scoped3A = tpu.sem_alloc : memref<!tpu.dma_semaphore, #tpu.memory_space<semaphore_mem>>
      %dma_start3A_151 = arith.constant 0 : i32
      %dma_start3A_152 = tpu.memref_slice %arg8[%dma_start3A_151] : memref<528xi32, #tpu.memory_space<vmem>> -> memref<512xi32, #tpu.memory_space<vmem>>
      %dma_start3A_153 = tpu.memref_slice %arg3[%mul3A_2] : memref<16384xi32, #tpu.memory_space<hbm>> -> memref<512xi32, #tpu.memory_space<hbm>>
      %dma_start3A_154 = arith.constant 0 : i32
      %dma_start3A_155 = tpu.memref_slice %arg8[%dma_start3A_154] : memref<528xi32, #tpu.memory_space<vmem>> -> memref<512xi32, #tpu.memory_space<vmem>>
      %dma_start3A_156 = tpu.memref_slice %arg3[%mul3A_2] : memref<16384xi32, #tpu.memory_space<hbm>> -> memref<512xi32, #tpu.memory_space<hbm>>
      tpu.enqueue_dma source(%dma_start3A_156 : memref<512xi32, #tpu.memory_space<hbm>>) target(%dma_start3A_155 : memref<512xi32, #tpu.memory_space<vmem>>) target_semaphore(%run_scoped3A : memref<!tpu.dma_semaphore, #tpu.memory_space<semaphore_mem>>)
      %dma_wait3A = arith.constant 0 : i32
      %dma_wait3A_157 = tpu.memref_slice %arg8[%dma_wait3A] : memref<528xi32, #tpu.memory_space<vmem>> -> memref<512xi32, #tpu.memory_space<vmem>>
      %dma_wait3A_158 = tpu.memref_slice %arg3[%mul3A_2] : memref<16384xi32, #tpu.memory_space<hbm>> -> memref<512xi32, #tpu.memory_space<hbm>>
      %dma_wait3A_159 = arith.constant 0 : i32
      %dma_wait3A_160 = tpu.memref_slice %arg8[%dma_wait3A_159] : memref<528xi32, #tpu.memory_space<vmem>> -> memref<512xi32, #tpu.memory_space<vmem>>
      %dma_wait3A_161 = tpu.memref_slice %arg3[%mul3A_2] : memref<16384xi32, #tpu.memory_space<hbm>> -> memref<512xi32, #tpu.memory_space<hbm>>
      tpu.wait_dma2 semaphore(%run_scoped3A : memref<!tpu.dma_semaphore, #tpu.memory_space<semaphore_mem>>) src(%dma_wait3A_161 : memref<512xi32, #tpu.memory_space<hbm>>) dst(%dma_wait3A_160 : memref<512xi32, #tpu.memory_space<vmem>>)
      tpu.yield
    }) : () -> ()
    %iota3A = tpu.iota {dimensions = array<i32: 0>} : vector<16xi32>
    %get3A = arith.constant 0 : index
    %get3A_3 = tpu.vector_load %arg7[%get3A] {strides = array<i32>} : memref<528xi32, #tpu.memory_space<vmem>>, vector<16xi32>,
    %get3A_4 = arith.constant 0 : index
    %get3A_5 = tpu.vector_load %arg8[%get3A_4] {strides = array<i32>} : memref<528xi32, #tpu.memory_space<vmem>>, vector<16xi32>,
    %slice3A = vector.extract_strided_slice %get3A_3 {offsets = [0], sizes = [1], strides = [1]} : vector<16xi32> to vector<1xi32>
    %squeeze3A = vector.extract %slice3A[0] : i32 from vector<1xi32>
    %slice3A_6 = vector.extract_strided_slice %get3A_5 {offsets = [0], sizes = [1], strides = [1]} : vector<16xi32> to vector<1xi32>
    %squeeze3A_7 = vector.extract %slice3A_6[0] : i32 from vector<1xi32>
    %and3A = arith.constant -128 : i32
    %and3A_8 = arith.andi %squeeze3A, %and3A : i32
    %multiple_of3A = tpu.assume_multiple %and3A_8, 128 : i32
    %and3A_9 = arith.constant -128 : i32
    %and3A_10 = arith.andi %squeeze3A_7, %and3A_9 : i32
    %multiple_of3A_11 = tpu.assume_multiple %and3A_10, 128 : i32
    %dma_start3A = arith.constant 0 : i32
    %dma_start3A_12 = arith.constant 0 : i32
    %dma_start3A_13 = arith.constant 0 : i32
    %dma_start3A_14 = tpu.memref_slice %arg9[%dma_start3A, %dma_start3A_12, %dma_start3A_13] : memref<4x32x128xf32, #tpu.memory_space<vmem>> -> memref<1x32x128xf32, #tpu.memory_space<vmem>>
    %dma_start3A_15 = tpu.memref_squeeze %dma_start3A_14 : memref<1x32x128xf32, #tpu.memory_space<vmem>> -> memref<32x128xf32, #tpu.memory_space<vmem>>
    %dma_start3A_16 = arith.constant 0 : i32
    %dma_start3A_17 = tpu.memref_slice %arg4[%dma_start3A_16, %multiple_of3A] : memref<32x1000000xf32, #tpu.memory_space<hbm>> -> memref<32x128xf32, #tpu.memory_space<hbm>>
    %dma_start3A_18 = arith.constant 0 : i32
    %dma_start3A_19 = arith.constant 0 : i32
    %dma_start3A_20 = tpu.memref_slice %arg9[%dma_start3A, %dma_start3A_18, %dma_start3A_19] : memref<4x32x128xf32, #tpu.memory_space<vmem>> -> memref<1x32x128xf32, #tpu.memory_space<vmem>>
    %dma_start3A_21 = tpu.memref_squeeze %dma_start3A_20 : memref<1x32x128xf32, #tpu.memory_space<vmem>> -> memref<32x128xf32, #tpu.memory_space<vmem>>
    %dma_start3A_22 = arith.constant 0 : i32
    %dma_start3A_23 = tpu.memref_slice %arg4[%dma_start3A_22, %multiple_of3A] : memref<32x1000000xf32, #tpu.memory_space<hbm>> -> memref<32x128xf32, #tpu.memory_space<hbm>>
    tpu.enqueue_dma source(%dma_start3A_23 : memref<32x128xf32, #tpu.memory_space<hbm>>) target(%dma_start3A_21 : memref<32x128xf32, #tpu.memory_space<vmem>>) target_semaphore(%arg14 : memref<!tpu.dma_semaphore, #tpu.memory_space<semaphore_mem>>)
    %dma_start3A_24 = arith.constant 0 : i32
    %dma_start3A_25 = arith.constant 0 : i32
    %dma_start3A_26 = arith.constant 0 : i32
    %dma_start3A_27 = tpu.memref_slice %arg10[%dma_start3A_24, %dma_start3A_25, %dma_start3A_26] : memref<4x32x128xf32, #tpu.memory_space<vmem>> -> memref<1x32x128xf32, #tpu.memory_space<vmem>>
    %dma_start3A_28 = tpu.memref_squeeze %dma_start3A_27 : memref<1x32x128xf32, #tpu.memory_space<vmem>> -> memref<32x128xf32, #tpu.memory_space<vmem>>
    %dma_start3A_29 = arith.constant 0 : i32
    %dma_start3A_30 = tpu.memref_slice %arg5[%dma_start3A_29, %multiple_of3A_11] : memref<32x1000000xf32, #tpu.memory_space<hbm>> -> memref<32x128xf32, #tpu.memory_space<hbm>>
    %dma_start3A_31 = arith.constant 0 : i32
    %dma_start3A_32 = arith.constant 0 : i32
    %dma_start3A_33 = tpu.memref_slice %arg10[%dma_start3A_24, %dma_start3A_31, %dma_start3A_32] : memref<4x32x128xf32, #tpu.memory_space<vmem>> -> memref<1x32x128xf32, #tpu.memory_space<vmem>>
    %dma_start3A_34 = tpu.memref_squeeze %dma_start3A_33 : memref<1x32x128xf32, #tpu.memory_space<vmem>> -> memref<32x128xf32, #tpu.memory_space<vmem>>
    %dma_start3A_35 = arith.constant 0 : i32
    %dma_start3A_36 = tpu.memref_slice %arg5[%dma_start3A_35, %multiple_of3A_11] : memref<32x1000000xf32, #tpu.memory_space<hbm>> -> memref<32x128xf32, #tpu.memory_space<hbm>>
    tpu.enqueue_dma source(%dma_start3A_36 : memref<32x128xf32, #tpu.memory_space<hbm>>) target(%dma_start3A_34 : memref<32x128xf32, #tpu.memory_space<vmem>>) target_semaphore(%arg14 : memref<!tpu.dma_semaphore, #tpu.memory_space<semaphore_mem>>)
    %slice3A_37 = vector.extract_strided_slice %get3A_3 {offsets = [1], sizes = [1], strides = [1]} : vector<16xi32> to vector<1xi32>
    %squeeze3A_38 = vector.extract %slice3A_37[0] : i32 from vector<1xi32>
    %slice3A_39 = vector.extract_strided_slice %get3A_5 {offsets = [1], sizes = [1], strides = [1]} : vector<16xi32> to vector<1xi32>
    %squeeze3A_40 = vector.extract %slice3A_39[0] : i32 from vector<1xi32>
    %and3A_41 = arith.constant -128 : i32
    %and3A_42 = arith.andi %squeeze3A_38, %and3A_41 : i32
    %multiple_of3A_43 = tpu.assume_multiple %and3A_42, 128 : i32
    %and3A_44 = arith.constant -128 : i32
    %and3A_45 = arith.andi %squeeze3A_40, %and3A_44 : i32
    %multiple_of3A_46 = tpu.assume_multiple %and3A_45, 128 : i32
    %dma_start3A_47 = arith.constant 1 : i32
    %dma_start3A_48 = arith.constant 0 : i32
    %dma_start3A_49 = arith.constant 0 : i32
    %dma_start3A_50 = tpu.memref_slice %arg9[%dma_start3A_47, %dma_start3A_48, %dma_start3A_49] : memref<4x32x128xf32, #tpu.memory_space<vmem>> -> memref<1x32x128xf32, #tpu.memory_space<vmem>>
    %dma_start3A_51 = tpu.memref_squeeze %dma_start3A_50 : memref<1x32x128xf32, #tpu.memory_space<vmem>> -> memref<32x128xf32, #tpu.memory_space<vmem>>
    %dma_start3A_52 = arith.constant 0 : i32
    %dma_start3A_53 = tpu.memref_slice %arg4[%dma_start3A_52, %multiple_of3A_43] : memref<32x1000000xf32, #tpu.memory_space<hbm>> -> memref<32x128xf32, #tpu.memory_space<hbm>>
    %dma_start3A_54 = arith.constant 0 : i32
    %dma_start3A_55 = arith.constant 0 : i32
    %dma_start3A_56 = tpu.memref_slice %arg9[%dma_start3A_47, %dma_start3A_54, %dma_start3A_55] : memref<4x32x128xf32, #tpu.memory_space<vmem>> -> memref<1x32x128xf32, #tpu.memory_space<vmem>>
    %dma_start3A_57 = tpu.memref_squeeze %dma_start3A_56 : memref<1x32x128xf32, #tpu.memory_space<vmem>> -> memref<32x128xf32, #tpu.memory_space<vmem>>
    %dma_start3A_58 = arith.constant 0 : i32
    %dma_start3A_59 = tpu.memref_slice %arg4[%dma_start3A_58, %multiple_of3A_43] : memref<32x1000000xf32, #tpu.memory_space<hbm>> -> memref<32x128xf32, #tpu.memory_space<hbm>>
    tpu.enqueue_dma source(%dma_start3A_59 : memref<32x128xf32, #tpu.memory_space<hbm>>) target(%dma_start3A_57 : memref<32x128xf32, #tpu.memory_space<vmem>>) target_semaphore(%arg14 : memref<!tpu.dma_semaphore, #tpu.memory_space<semaphore_mem>>)
    %dma_start3A_60 = arith.constant 1 : i32
    %dma_start3A_61 = arith.constant 0 : i32
    %dma_start3A_62 = arith.constant 0 : i32
    %dma_start3A_63 = tpu.memref_slice %arg10[%dma_start3A_60, %dma_start3A_61, %dma_start3A_62] : memref<4x32x128xf32, #tpu.memory_space<vmem>> -> memref<1x32x128xf32, #tpu.memory_space<vmem>>
    %dma_start3A_64 = tpu.memref_squeeze %dma_start3A_63 : memref<1x32x128xf32, #tpu.memory_space<vmem>> -> memref<32x128xf32, #tpu.memory_space<vmem>>
    %dma_start3A_65 = arith.constant 0 : i32
    %dma_start3A_66 = tpu.memref_slice %arg5[%dma_start3A_65, %multiple_of3A_46] : memref<32x1000000xf32, #tpu.memory_space<hbm>> -> memref<32x128xf32, #tpu.memory_space<hbm>>
    %dma_start3A_67 = arith.constant 0 : i32
    %dma_start3A_68 = arith.constant 0 : i32
    %dma_start3A_69 = tpu.memref_slice %arg10[%dma_start3A_60, %dma_start3A_67, %dma_start3A_68] : memref<4x32x128xf32, #tpu.memory_space<vmem>> -> memref<1x32x128xf32, #tpu.memory_space<vmem>>
    %dma_start3A_70 = tpu.memref_squeeze %dma_start3A_69 : memref<1x32x128xf32, #tpu.memory_space<vmem>> -> memref<32x128xf32, #tpu.memory_space<vmem>>
    %dma_start3A_71 = arith.constant 0 : i32
    %dma_start3A_72 = tpu.memref_slice %arg5[%dma_start3A_71, %multiple_of3A_46] : memref<32x1000000xf32, #tpu.memory_space<hbm>> -> memref<32x128xf32, #tpu.memory_space<hbm>>
    tpu.enqueue_dma source(%dma_start3A_72 : memref<32x128xf32, #tpu.memory_space<hbm>>) target(%dma_start3A_70 : memref<32x128xf32, #tpu.memory_space<vmem>>) target_semaphore(%arg14 : memref<!tpu.dma_semaphore, #tpu.memory_space<semaphore_mem>>)
    %slice3A_73 = vector.extract_strided_slice %get3A_3 {offsets = [2], sizes = [1], strides = [1]} : vector<16xi32> to vector<1xi32>
    %squeeze3A_74 = vector.extract %slice3A_73[0] : i32 from vector<1xi32>
    %slice3A_75 = vector.extract_strided_slice %get3A_5 {offsets = [2], sizes = [1], strides = [1]} : vector<16xi32> to vector<1xi32>
    %squeeze3A_76 = vector.extract %slice3A_75[0] : i32 from vector<1xi32>
    %and3A_77 = arith.constant -128 : i32
    %and3A_78 = arith.andi %squeeze3A_74, %and3A_77 : i32
    %multiple_of3A_79 = tpu.assume_multiple %and3A_78, 128 : i32
    %and3A_80 = arith.constant -128 : i32
    %and3A_81 = arith.andi %squeeze3A_76, %and3A_80 : i32
    %multiple_of3A_82 = tpu.assume_multiple %and3A_81, 128 : i32
    %dma_start3A_83 = arith.constant 2 : i32
    %dma_start3A_84 = arith.constant 0 : i32
    %dma_start3A_85 = arith.constant 0 : i32
    %dma_start3A_86 = tpu.memref_slice %arg9[%dma_start3A_83, %dma_start3A_84, %dma_start3A_85] : memref<4x32x128xf32, #tpu.memory_space<vmem>> -> memref<1x32x128xf32, #tpu.memory_space<vmem>>
    %dma_start3A_87 = tpu.memref_squeeze %dma_start3A_86 : memref<1x32x128xf32, #tpu.memory_space<vmem>> -> memref<32x128xf32, #tpu.memory_space<vmem>>
    %dma_start3A_88 = arith.constant 0 : i32
    %dma_start3A_89 = tpu.memref_slice %arg4[%dma_start3A_88, %multiple_of3A_79] : memref<32x1000000xf32, #tpu.memory_space<hbm>> -> memref<32x128xf32, #tpu.memory_space<hbm>>
    %dma_start3A_90 = arith.constant 0 : i32
    %dma_start3A_91 = arith.constant 0 : i32
    %dma_start3A_92 = tpu.memref_slice %arg9[%dma_start3A_83, %dma_start3A_90, %dma_start3A_91] : memref<4x32x128xf32, #tpu.memory_space<vmem>> -> memref<1x32x128xf32, #tpu.memory_space<vmem>>
    %dma_start3A_93 = tpu.memref_squeeze %dma_start3A_92 : memref<1x32x128xf32, #tpu.memory_space<vmem>> -> memref<32x128xf32, #tpu.memory_space<vmem>>
    %dma_start3A_94 = arith.constant 0 : i32
    %dma_start3A_95 = tpu.memref_slice %arg4[%dma_start3A_94, %multiple_of3A_79] : memref<32x1000000xf32, #tpu.memory_space<hbm>> -> memref<32x128xf32, #tpu.memory_space<hbm>>
    tpu.enqueue_dma source(%dma_start3A_95 : memref<32x128xf32, #tpu.memory_space<hbm>>) target(%dma_start3A_93 : memref<32x128xf32, #tpu.memory_space<vmem>>) target_semaphore(%arg14 : memref<!tpu.dma_semaphore, #tpu.memory_space<semaphore_mem>>)
    %dma_start3A_96 = arith.constant 2 : i32
    %dma_start3A_97 = arith.constant 0 : i32
    %dma_start3A_98 = arith.constant 0 : i32
    %dma_start3A_99 = tpu.memref_slice %arg10[%dma_start3A_96, %dma_start3A_97, %dma_start3A_98] : memref<4x32x128xf32, #tpu.memory_space<vmem>> -> memref<1x32x128xf32, #tpu.memory_space<vmem>>
    %dma_start3A_100 = tpu.memref_squeeze %dma_start3A_99 : memref<1x32x128xf32, #tpu.memory_space<vmem>> -> memref<32x128xf32, #tpu.memory_space<vmem>>
    %dma_start3A_101 = arith.constant 0 : i32
    %dma_start3A_102 = tpu.memref_slice %arg5[%dma_start3A_101, %multiple_of3A_82] : memref<32x1000000xf32, #tpu.memory_space<hbm>> -> memref<32x128xf32, #tpu.memory_space<hbm>>
    %dma_start3A_103 = arith.constant 0 : i32
    %dma_start3A_104 = arith.constant 0 : i32
    %dma_start3A_105 = tpu.memref_slice %arg10[%dma_start3A_96, %dma_start3A_103, %dma_start3A_104] : memref<4x32x128xf32, #tpu.memory_space<vmem>> -> memref<1x32x128xf32, #tpu.memory_space<vmem>>
    %dma_start3A_106 = tpu.memref_squeeze %dma_start3A_105 : memref<1x32x128xf32, #tpu.memory_space<vmem>> -> memref<32x128xf32, #tpu.memory_space<vmem>>
    %dma_start3A_107 = arith.constant 0 : i32
    %dma_start3A_108 = tpu.memref_slice %arg5[%dma_start3A_107, %multiple_of3A_82] : memref<32x1000000xf32, #tpu.memory_space<hbm>> -> memref<32x128xf32, #tpu.memory_space<hbm>>
    tpu.enqueue_dma source(%dma_start3A_108 : memref<32x128xf32, #tpu.memory_space<hbm>>) target(%dma_start3A_106 : memref<32x128xf32, #tpu.memory_space<vmem>>) target_semaphore(%arg14 : memref<!tpu.dma_semaphore, #tpu.memory_space<semaphore_mem>>)
    %slice3A_109 = vector.extract_strided_slice %get3A_3 {offsets = [3], sizes = [1], strides = [1]} : vector<16xi32> to vector<1xi32>
    %squeeze3A_110 = vector.extract %slice3A_109[0] : i32 from vector<1xi32>
    %slice3A_111 = vector.extract_strided_slice %get3A_5 {offsets = [3], sizes = [1], strides = [1]} : vector<16xi32> to vector<1xi32>
    %squeeze3A_112 = vector.extract %slice3A_111[0] : i32 from vector<1xi32>
    %and3A_113 = arith.constant -128 : i32
    %and3A_114 = arith.andi %squeeze3A_110, %and3A_113 : i32
    %multiple_of3A_115 = tpu.assume_multiple %and3A_114, 128 : i32
    %and3A_116 = arith.constant -128 : i32
    %and3A_117 = arith.andi %squeeze3A_112, %and3A_116 : i32
    %multiple_of3A_118 = tpu.assume_multiple %and3A_117, 128 : i32
    %dma_start3A_119 = arith.constant 3 : i32
    %dma_start3A_120 = arith.constant 0 : i32
    %dma_start3A_121 = arith.constant 0 : i32
    %dma_start3A_122 = tpu.memref_slice %arg9[%dma_start3A_119, %dma_start3A_120, %dma_start3A_121] : memref<4x32x128xf32, #tpu.memory_space<vmem>> -> memref<1x32x128xf32, #tpu.memory_space<vmem>>
    %dma_start3A_123 = tpu.memref_squeeze %dma_start3A_122 : memref<1x32x128xf32, #tpu.memory_space<vmem>> -> memref<32x128xf32, #tpu.memory_space<vmem>>
    %dma_start3A_124 = arith.constant 0 : i32
    %dma_start3A_125 = tpu.memref_slice %arg4[%dma_start3A_124, %multiple_of3A_115] : memref<32x1000000xf32, #tpu.memory_space<hbm>> -> memref<32x128xf32, #tpu.memory_space<hbm>>
    %dma_start3A_126 = arith.constant 0 : i32
    %dma_start3A_127 = arith.constant 0 : i32
    %dma_start3A_128 = tpu.memref_slice %arg9[%dma_start3A_119, %dma_start3A_126, %dma_start3A_127] : memref<4x32x128xf32, #tpu.memory_space<vmem>> -> memref<1x32x128xf32, #tpu.memory_space<vmem>>
    %dma_start3A_129 = tpu.memref_squeeze %dma_start3A_128 : memref<1x32x128xf32, #tpu.memory_space<vmem>> -> memref<32x128xf32, #tpu.memory_space<vmem>>
    %dma_start3A_130 = arith.constant 0 : i32
    %dma_start3A_131 = tpu.memref_slice %arg4[%dma_start3A_130, %multiple_of3A_115] : memref<32x1000000xf32, #tpu.memory_space<hbm>> -> memref<32x128xf32, #tpu.memory_space<hbm>>
    tpu.enqueue_dma source(%dma_start3A_131 : memref<32x128xf32, #tpu.memory_space<hbm>>) target(%dma_start3A_129 : memref<32x128xf32, #tpu.memory_space<vmem>>) target_semaphore(%arg14 : memref<!tpu.dma_semaphore, #tpu.memory_space<semaphore_mem>>)
    %dma_start3A_132 = arith.constant 3 : i32
    %dma_start3A_133 = arith.constant 0 : i32
    %dma_start3A_134 = arith.constant 0 : i32
    %dma_start3A_135 = tpu.memref_slice %arg10[%dma_start3A_132, %dma_start3A_133, %dma_start3A_134] : memref<4x32x128xf32, #tpu.memory_space<vmem>> -> memref<1x32x128xf32, #tpu.memory_space<vmem>>
    %dma_start3A_136 = tpu.memref_squeeze %dma_start3A_135 : memref<1x32x128xf32, #tpu.memory_space<vmem>> -> memref<32x128xf32, #tpu.memory_space<vmem>>
    %dma_start3A_137 = arith.constant 0 : i32
    %dma_start3A_138 = tpu.memref_slice %arg5[%dma_start3A_137, %multiple_of3A_118] : memref<32x1000000xf32, #tpu.memory_space<hbm>> -> memref<32x128xf32, #tpu.memory_space<hbm>>
    %dma_start3A_139 = arith.constant 0 : i32
    %dma_start3A_140 = arith.constant 0 : i32
    %dma_start3A_141 = tpu.memref_slice %arg10[%dma_start3A_132, %dma_start3A_139, %dma_start3A_140] : memref<4x32x128xf32, #tpu.memory_space<vmem>> -> memref<1x32x128xf32, #tpu.memory_space<vmem>>
    %dma_start3A_142 = tpu.memref_squeeze %dma_start3A_141 : memref<1x32x128xf32, #tpu.memory_space<vmem>> -> memref<32x128xf32, #tpu.memory_space<vmem>>
    %dma_start3A_143 = arith.constant 0 : i32
    %dma_start3A_144 = tpu.memref_slice %arg5[%dma_start3A_143, %multiple_of3A_118] : memref<32x1000000xf32, #tpu.memory_space<hbm>> -> memref<32x128xf32, #tpu.memory_space<hbm>>
    tpu.enqueue_dma source(%dma_start3A_144 : memref<32x128xf32, #tpu.memory_space<hbm>>) target(%dma_start3A_142 : memref<32x128xf32, #tpu.memory_space<vmem>>) target_semaphore(%arg14 : memref<!tpu.dma_semaphore, #tpu.memory_space<semaphore_mem>>)
    %broadcast_in_dim3A = arith.constant 0.000000e+00 : f32
    %broadcast_in_dim3A_145 = vector.broadcast %broadcast_in_dim3A : f32 to vector<16xf32>
    %scan3A = arith.constant 0 : i32
    %scan3A_146 = arith.constant 64 : i32
    %scan3A_147 = arith.addi %scan3A, %scan3A_146 : i32
    %scan3A_148 = arith.constant 1 : i32
    %scan3A_149 = scf.for %scan3A_151 = %scan3A to %scan3A_147 step %scan3A_148 iter_args(%scan3A_152 = %broadcast_in_dim3A_145) -> (vector<16xf32>)  : i32 {
      %mul3A_153 = arith.constant 8 : i32
      %mul3A_154 = arith.muli %scan3A_151, %mul3A_153 : i32
      %get3A_155 = arith.index_cast %mul3A_154 : i32 to index
      %get3A_156 = tpu.vector_load %arg7[%get3A_155] {strides = array<i32>} : memref<528xi32, #tpu.memory_space<vmem>>, vector<16xi32>,
      %mul3A_157 = arith.constant 8 : i32
      %mul3A_158 = arith.muli %scan3A_151, %mul3A_157 : i32
      %get3A_159 = arith.index_cast %mul3A_158 : i32 to index
      %get3A_160 = tpu.vector_load %arg8[%get3A_159] {strides = array<i32>} : memref<528xi32, #tpu.memory_space<vmem>>, vector<16xi32>,
      %jit3A = arith.constant 2 : i32
      %eq3A = arith.constant 0 : i32
      %eq3A_161 = arith.cmpi eq, %jit3A, %eq3A : i32
      %jit3A_162 = arith.constant 1 : i32
      %select_n3A = arith.select %eq3A_161, %jit3A_162, %jit3A : i32
      %rem3A = arith.remsi %scan3A_151, %select_n3A : i32
      %ne3A = arith.constant 0 : i32
      %ne3A_163 = arith.cmpi ne, %rem3A, %ne3A : i32
      %lt3A = arith.constant 0 : i32
      %lt3A_164 = arith.cmpi slt, %rem3A, %lt3A : i32
      %lt3A_165 = arith.constant 0 : i32
      %lt3A_166 = arith.cmpi slt, %select_n3A, %lt3A_165 : i32
      %ne3A_167 = arith.xori %lt3A_164, %lt3A_166 : i1
      %and3A_168 = arith.andi %ne3A_167, %ne3A_163 : i1
      %add3A_169 = arith.addi %rem3A, %select_n3A : i32
      %select_n3A_170 = arith.select %and3A_168, %add3A_169, %rem3A : i32
      %mul3A_171 = arith.constant 8 : i32
      %mul3A_172 = arith.muli %select_n3A_170, %mul3A_171 : i32
      %slice3A_173 = vector.extract_strided_slice %get3A_156 {offsets = [4], sizes = [1], strides = [1]} : vector<16xi32> to vector<1xi32>
      %squeeze3A_174 = vector.extract %slice3A_173[0] : i32 from vector<1xi32>
      %slice3A_175 = vector.extract_strided_slice %get3A_160 {offsets = [4], sizes = [1], strides = [1]} : vector<16xi32> to vector<1xi32>
      %squeeze3A_176 = vector.extract %slice3A_175[0] : i32 from vector<1xi32>
      %and3A_177 = arith.constant -128 : i32
      %and3A_178 = arith.andi %squeeze3A_174, %and3A_177 : i32
      %multiple_of3A_179 = tpu.assume_multiple %and3A_178, 128 : i32
      %and3A_180 = arith.constant -128 : i32
      %and3A_181 = arith.andi %squeeze3A_176, %and3A_180 : i32
      %multiple_of3A_182 = tpu.assume_multiple %and3A_181, 128 : i32
      %dma_start3A_183 = arith.constant 0 : i32
      %dma_start3A_184 = arith.constant 0 : i32
      %dma_start3A_185 = arith.constant 0 : i32
      %dma_start3A_186 = tpu.memref_slice %arg11[%dma_start3A_183, %dma_start3A_184, %dma_start3A_185] : memref<4x32x128xf32, #tpu.memory_space<vmem>> -> memref<1x32x128xf32, #tpu.memory_space<vmem>>
      %dma_start3A_187 = tpu.memref_squeeze %dma_start3A_186 : memref<1x32x128xf32, #tpu.memory_space<vmem>> -> memref<32x128xf32, #tpu.memory_space<vmem>>
      %dma_start3A_188 = arith.constant 0 : i32
      %dma_start3A_189 = tpu.memref_slice %arg4[%dma_start3A_188, %multiple_of3A_179] : memref<32x1000000xf32, #tpu.memory_space<hbm>> -> memref<32x128xf32, #tpu.memory_space<hbm>>
      %dma_start3A_190 = arith.constant 0 : i32
      %dma_start3A_191 = arith.constant 0 : i32
      %dma_start3A_192 = tpu.memref_slice %arg11[%dma_start3A_183, %dma_start3A_190, %dma_start3A_191] : memref<4x32x128xf32, #tpu.memory_space<vmem>> -> memref<1x32x128xf32, #tpu.memory_space<vmem>>
      %dma_start3A_193 = tpu.memref_squeeze %dma_start3A_192 : memref<1x32x128xf32, #tpu.memory_space<vmem>> -> memref<32x128xf32, #tpu.memory_space<vmem>>
      %dma_start3A_194 = arith.constant 0 : i32
      %dma_start3A_195 = tpu.memref_slice %arg4[%dma_start3A_194, %multiple_of3A_179] : memref<32x1000000xf32, #tpu.memory_space<hbm>> -> memref<32x128xf32, #tpu.memory_space<hbm>>
      tpu.enqueue_dma source(%dma_start3A_195 : memref<32x128xf32, #tpu.memory_space<hbm>>) target(%dma_start3A_193 : memref<32x128xf32, #tpu.memory_space<vmem>>) target_semaphore(%arg15 : memref<!tpu.dma_semaphore, #tpu.memory_space<semaphore_mem>>)
      %dma_start3A_196 = arith.constant 0 : i32
      %dma_start3A_197 = arith.constant 0 : i32
      %dma_start3A_198 = arith.constant 0 : i32
      %dma_start3A_199 = tpu.memref_slice %arg12[%dma_start3A_196, %dma_start3A_197, %dma_start3A_198] : memref<4x32x128xf32, #tpu.memory_space<vmem>> -> memref<1x32x128xf32, #tpu.memory_space<vmem>>
      %dma_start3A_200 = tpu.memref_squeeze %dma_start3A_199 : memref<1x32x128xf32, #tpu.memory_space<vmem>> -> memref<32x128xf32, #tpu.memory_space<vmem>>
      %dma_start3A_201 = arith.constant 0 : i32
      %dma_start3A_202 = tpu.memref_slice %arg5[%dma_start3A_201, %multiple_of3A_182] : memref<32x1000000xf32, #tpu.memory_space<hbm>> -> memref<32x128xf32, #tpu.memory_space<hbm>>
      %dma_start3A_203 = arith.constant 0 : i32
      %dma_start3A_204 = arith.constant 0 : i32
      %dma_start3A_205 = tpu.memref_slice %arg12[%dma_start3A_196, %dma_start3A_203, %dma_start3A_204] : memref<4x32x128xf32, #tpu.memory_space<vmem>> -> memref<1x32x128xf32, #tpu.memory_space<vmem>>
      %dma_start3A_206 = tpu.memref_squeeze %dma_start3A_205 : memref<1x32x128xf32, #tpu.memory_space<vmem>> -> memref<32x128xf32, #tpu.memory_space<vmem>>
      %dma_start3A_207 = arith.constant 0 : i32
      %dma_start3A_208 = tpu.memref_slice %arg5[%dma_start3A_207, %multiple_of3A_182] : memref<32x1000000xf32, #tpu.memory_space<hbm>> -> memref<32x128xf32, #tpu.memory_space<hbm>>
      tpu.enqueue_dma source(%dma_start3A_208 : memref<32x128xf32, #tpu.memory_space<hbm>>) target(%dma_start3A_206 : memref<32x128xf32, #tpu.memory_space<vmem>>) target_semaphore(%arg15 : memref<!tpu.dma_semaphore, #tpu.memory_space<semaphore_mem>>)
      %slice3A_209 = vector.extract_strided_slice %get3A_156 {offsets = [5], sizes = [1], strides = [1]} : vector<16xi32> to vector<1xi32>
      %squeeze3A_210 = vector.extract %slice3A_209[0] : i32 from vector<1xi32>
      %slice3A_211 = vector.extract_strided_slice %get3A_160 {offsets = [5], sizes = [1], strides = [1]} : vector<16xi32> to vector<1xi32>
      %squeeze3A_212 = vector.extract %slice3A_211[0] : i32 from vector<1xi32>
      %and3A_213 = arith.constant -128 : i32
      %and3A_214 = arith.andi %squeeze3A_210, %and3A_213 : i32
      %multiple_of3A_215 = tpu.assume_multiple %and3A_214, 128 : i32
      %and3A_216 = arith.constant -128 : i32
      %and3A_217 = arith.andi %squeeze3A_212, %and3A_216 : i32
      %multiple_of3A_218 = tpu.assume_multiple %and3A_217, 128 : i32
      %dma_start3A_219 = arith.constant 1 : i32
      %dma_start3A_220 = arith.constant 0 : i32
      %dma_start3A_221 = arith.constant 0 : i32
      %dma_start3A_222 = tpu.memref_slice %arg11[%dma_start3A_219, %dma_start3A_220, %dma_start3A_221] : memref<4x32x128xf32, #tpu.memory_space<vmem>> -> memref<1x32x128xf32, #tpu.memory_space<vmem>>
      %dma_start3A_223 = tpu.memref_squeeze %dma_start3A_222 : memref<1x32x128xf32, #tpu.memory_space<vmem>> -> memref<32x128xf32, #tpu.memory_space<vmem>>
      %dma_start3A_224 = arith.constant 0 : i32
      %dma_start3A_225 = tpu.memref_slice %arg4[%dma_start3A_224, %multiple_of3A_215] : memref<32x1000000xf32, #tpu.memory_space<hbm>> -> memref<32x128xf32, #tpu.memory_space<hbm>>
      %dma_start3A_226 = arith.constant 0 : i32
      %dma_start3A_227 = arith.constant 0 : i32
      %dma_start3A_228 = tpu.memref_slice %arg11[%dma_start3A_219, %dma_start3A_226, %dma_start3A_227] : memref<4x32x128xf32, #tpu.memory_space<vmem>> -> memref<1x32x128xf32, #tpu.memory_space<vmem>>
      %dma_start3A_229 = tpu.memref_squeeze %dma_start3A_228 : memref<1x32x128xf32, #tpu.memory_space<vmem>> -> memref<32x128xf32, #tpu.memory_space<vmem>>
      %dma_start3A_230 = arith.constant 0 : i32
      %dma_start3A_231 = tpu.memref_slice %arg4[%dma_start3A_230, %multiple_of3A_215] : memref<32x1000000xf32, #tpu.memory_space<hbm>> -> memref<32x128xf32, #tpu.memory_space<hbm>>
      tpu.enqueue_dma source(%dma_start3A_231 : memref<32x128xf32, #tpu.memory_space<hbm>>) target(%dma_start3A_229 : memref<32x128xf32, #tpu.memory_space<vmem>>) target_semaphore(%arg15 : memref<!tpu.dma_semaphore, #tpu.memory_space<semaphore_mem>>)
      %dma_start3A_232 = arith.constant 1 : i32
      %dma_start3A_233 = arith.constant 0 : i32
      %dma_start3A_234 = arith.constant 0 : i32
      %dma_start3A_235 = tpu.memref_slice %arg12[%dma_start3A_232, %dma_start3A_233, %dma_start3A_234] : memref<4x32x128xf32, #tpu.memory_space<vmem>> -> memref<1x32x128xf32, #tpu.memory_space<vmem>>
      %dma_start3A_236 = tpu.memref_squeeze %dma_start3A_235 : memref<1x32x128xf32, #tpu.memory_space<vmem>> -> memref<32x128xf32, #tpu.memory_space<vmem>>
      %dma_start3A_237 = arith.constant 0 : i32
      %dma_start3A_238 = tpu.memref_slice %arg5[%dma_start3A_237, %multiple_of3A_218] : memref<32x1000000xf32, #tpu.memory_space<hbm>> -> memref<32x128xf32, #tpu.memory_space<hbm>>
      %dma_start3A_239 = arith.constant 0 : i32
      %dma_start3A_240 = arith.constant 0 : i32
      %dma_start3A_241 = tpu.memref_slice %arg12[%dma_start3A_232, %dma_start3A_239, %dma_start3A_240] : memref<4x32x128xf32, #tpu.memory_space<vmem>> -> memref<1x32x128xf32, #tpu.memory_space<vmem>>
      %dma_start3A_242 = tpu.memref_squeeze %dma_start3A_241 : memref<1x32x128xf32, #tpu.memory_space<vmem>> -> memref<32x128xf32, #tpu.memory_space<vmem>>
      %dma_start3A_243 = arith.constant 0 : i32
      %dma_start3A_244 = tpu.memref_slice %arg5[%dma_start3A_243, %multiple_of3A_218] : memref<32x1000000xf32, #tpu.memory_space<hbm>> -> memref<32x128xf32, #tpu.memory_space<hbm>>
      tpu.enqueue_dma source(%dma_start3A_244 : memref<32x128xf32, #tpu.memory_space<hbm>>) target(%dma_start3A_242 : memref<32x128xf32, #tpu.memory_space<vmem>>) target_semaphore(%arg15 : memref<!tpu.dma_semaphore, #tpu.memory_space<semaphore_mem>>)
      %slice3A_245 = vector.extract_strided_slice %get3A_156 {offsets = [6], sizes = [1], strides = [1]} : vector<16xi32> to vector<1xi32>
      %squeeze3A_246 = vector.extract %slice3A_245[0] : i32 from vector<1xi32>
      %slice3A_247 = vector.extract_strided_slice %get3A_160 {offsets = [6], sizes = [1], strides = [1]} : vector<16xi32> to vector<1xi32>
      %squeeze3A_248 = vector.extract %slice3A_247[0] : i32 from vector<1xi32>
      %and3A_249 = arith.constant -128 : i32
      %and3A_250 = arith.andi %squeeze3A_246, %and3A_249 : i32
      %multiple_of3A_251 = tpu.assume_multiple %and3A_250, 128 : i32
      %and3A_252 = arith.constant -128 : i32
      %and3A_253 = arith.andi %squeeze3A_248, %and3A_252 : i32
      %multiple_of3A_254 = tpu.assume_multiple %and3A_253, 128 : i32
      %dma_start3A_255 = arith.constant 2 : i32
      %dma_start3A_256 = arith.constant 0 : i32
      %dma_start3A_257 = arith.constant 0 : i32
      %dma_start3A_258 = tpu.memref_slice %arg11[%dma_start3A_255, %dma_start3A_256, %dma_start3A_257] : memref<4x32x128xf32, #tpu.memory_space<vmem>> -> memref<1x32x128xf32, #tpu.memory_space<vmem>>
      %dma_start3A_259 = tpu.memref_squeeze %dma_start3A_258 : memref<1x32x128xf32, #tpu.memory_space<vmem>> -> memref<32x128xf32, #tpu.memory_space<vmem>>
      %dma_start3A_260 = arith.constant 0 : i32
      %dma_start3A_261 = tpu.memref_slice %arg4[%dma_start3A_260, %multiple_of3A_251] : memref<32x1000000xf32, #tpu.memory_space<hbm>> -> memref<32x128xf32, #tpu.memory_space<hbm>>
      %dma_start3A_262 = arith.constant 0 : i32
      %dma_start3A_263 = arith.constant 0 : i32
      %dma_start3A_264 = tpu.memref_slice %arg11[%dma_start3A_255, %dma_start3A_262, %dma_start3A_263] : memref<4x32x128xf32, #tpu.memory_space<vmem>> -> memref<1x32x128xf32, #tpu.memory_space<vmem>>
      %dma_start3A_265 = tpu.memref_squeeze %dma_start3A_264 : memref<1x32x128xf32, #tpu.memory_space<vmem>> -> memref<32x128xf32, #tpu.memory_space<vmem>>
      %dma_start3A_266 = arith.constant 0 : i32
      %dma_start3A_267 = tpu.memref_slice %arg4[%dma_start3A_266, %multiple_of3A_251] : memref<32x1000000xf32, #tpu.memory_space<hbm>> -> memref<32x128xf32, #tpu.memory_space<hbm>>
      tpu.enqueue_dma source(%dma_start3A_267 : memref<32x128xf32, #tpu.memory_space<hbm>>) target(%dma_start3A_265 : memref<32x128xf32, #tpu.memory_space<vmem>>) target_semaphore(%arg15 : memref<!tpu.dma_semaphore, #tpu.memory_space<semaphore_mem>>)
      %dma_start3A_268 = arith.constant 2 : i32
      %dma_start3A_269 = arith.constant 0 : i32
      %dma_start3A_270 = arith.constant 0 : i32
      %dma_start3A_271 = tpu.memref_slice %arg12[%dma_start3A_268, %dma_start3A_269, %dma_start3A_270] : memref<4x32x128xf32, #tpu.memory_space<vmem>> -> memref<1x32x128xf32, #tpu.memory_space<vmem>>
      %dma_start3A_272 = tpu.memref_squeeze %dma_start3A_271 : memref<1x32x128xf32, #tpu.memory_space<vmem>> -> memref<32x128xf32, #tpu.memory_space<vmem>>
      %dma_start3A_273 = arith.constant 0 : i32
      %dma_start3A_274 = tpu.memref_slice %arg5[%dma_start3A_273, %multiple_of3A_254] : memref<32x1000000xf32, #tpu.memory_space<hbm>> -> memref<32x128xf32, #tpu.memory_space<hbm>>
      %dma_start3A_275 = arith.constant 0 : i32
      %dma_start3A_276 = arith.constant 0 : i32
      %dma_start3A_277 = tpu.memref_slice %arg12[%dma_start3A_268, %dma_start3A_275, %dma_start3A_276] : memref<4x32x128xf32, #tpu.memory_space<vmem>> -> memref<1x32x128xf32, #tpu.memory_space<vmem>>
      %dma_start3A_278 = tpu.memref_squeeze %dma_start3A_277 : memref<1x32x128xf32, #tpu.memory_space<vmem>> -> memref<32x128xf32, #tpu.memory_space<vmem>>
      %dma_start3A_279 = arith.constant 0 : i32
      %dma_start3A_280 = tpu.memref_slice %arg5[%dma_start3A_279, %multiple_of3A_254] : memref<32x1000000xf32, #tpu.memory_space<hbm>> -> memref<32x128xf32, #tpu.memory_space<hbm>>
      tpu.enqueue_dma source(%dma_start3A_280 : memref<32x128xf32, #tpu.memory_space<hbm>>) target(%dma_start3A_278 : memref<32x128xf32, #tpu.memory_space<vmem>>) target_semaphore(%arg15 : memref<!tpu.dma_semaphore, #tpu.memory_space<semaphore_mem>>)
      %slice3A_281 = vector.extract_strided_slice %get3A_156 {offsets = [7], sizes = [1], strides = [1]} : vector<16xi32> to vector<1xi32>
      %squeeze3A_282 = vector.extract %slice3A_281[0] : i32 from vector<1xi32>
      %slice3A_283 = vector.extract_strided_slice %get3A_160 {offsets = [7], sizes = [1], strides = [1]} : vector<16xi32> to vector<1xi32>
      %squeeze3A_284 = vector.extract %slice3A_283[0] : i32 from vector<1xi32>
      %and3A_285 = arith.constant -128 : i32
      %and3A_286 = arith.andi %squeeze3A_282, %and3A_285 : i32
      %multiple_of3A_287 = tpu.assume_multiple %and3A_286, 128 : i32
      %and3A_288 = arith.constant -128 : i32
      %and3A_289 = arith.andi %squeeze3A_284, %and3A_288 : i32
      %multiple_of3A_290 = tpu.assume_multiple %and3A_289, 128 : i32
      %dma_start3A_291 = arith.constant 3 : i32
      %dma_start3A_292 = arith.constant 0 : i32
      %dma_start3A_293 = arith.constant 0 : i32
      %dma_start3A_294 = tpu.memref_slice %arg11[%dma_start3A_291, %dma_start3A_292, %dma_start3A_293] : memref<4x32x128xf32, #tpu.memory_space<vmem>> -> memref<1x32x128xf32, #tpu.memory_space<vmem>>
      %dma_start3A_295 = tpu.memref_squeeze %dma_start3A_294 : memref<1x32x128xf32, #tpu.memory_space<vmem>> -> memref<32x128xf32, #tpu.memory_space<vmem>>
      %dma_start3A_296 = arith.constant 0 : i32
      %dma_start3A_297 = tpu.memref_slice %arg4[%dma_start3A_296, %multiple_of3A_287] : memref<32x1000000xf32, #tpu.memory_space<hbm>> -> memref<32x128xf32, #tpu.memory_space<hbm>>
      %dma_start3A_298 = arith.constant 0 : i32
      %dma_start3A_299 = arith.constant 0 : i32
      %dma_start3A_300 = tpu.memref_slice %arg11[%dma_start3A_291, %dma_start3A_298, %dma_start3A_299] : memref<4x32x128xf32, #tpu.memory_space<vmem>> -> memref<1x32x128xf32, #tpu.memory_space<vmem>>
      %dma_start3A_301 = tpu.memref_squeeze %dma_start3A_300 : memref<1x32x128xf32, #tpu.memory_space<vmem>> -> memref<32x128xf32, #tpu.memory_space<vmem>>
      %dma_start3A_302 = arith.constant 0 : i32
      %dma_start3A_303 = tpu.memref_slice %arg4[%dma_start3A_302, %multiple_of3A_287] : memref<32x1000000xf32, #tpu.memory_space<hbm>> -> memref<32x128xf32, #tpu.memory_space<hbm>>
      tpu.enqueue_dma source(%dma_start3A_303 : memref<32x128xf32, #tpu.memory_space<hbm>>) target(%dma_start3A_301 : memref<32x128xf32, #tpu.memory_space<vmem>>) target_semaphore(%arg15 : memref<!tpu.dma_semaphore, #tpu.memory_space<semaphore_mem>>)
      %dma_start3A_304 = arith.constant 3 : i32
      %dma_start3A_305 = arith.constant 0 : i32
      %dma_start3A_306 = arith.constant 0 : i32
      %dma_start3A_307 = tpu.memref_slice %arg12[%dma_start3A_304, %dma_start3A_305, %dma_start3A_306] : memref<4x32x128xf32, #tpu.memory_space<vmem>> -> memref<1x32x128xf32, #tpu.memory_space<vmem>>
      %dma_start3A_308 = tpu.memref_squeeze %dma_start3A_307 : memref<1x32x128xf32, #tpu.memory_space<vmem>> -> memref<32x128xf32, #tpu.memory_space<vmem>>
      %dma_start3A_309 = arith.constant 0 : i32
      %dma_start3A_310 = tpu.memref_slice %arg5[%dma_start3A_309, %multiple_of3A_290] : memref<32x1000000xf32, #tpu.memory_space<hbm>> -> memref<32x128xf32, #tpu.memory_space<hbm>>
      %dma_start3A_311 = arith.constant 0 : i32
      %dma_start3A_312 = arith.constant 0 : i32
      %dma_start3A_313 = tpu.memref_slice %arg12[%dma_start3A_304, %dma_start3A_311, %dma_start3A_312] : memref<4x32x128xf32, #tpu.memory_space<vmem>> -> memref<1x32x128xf32, #tpu.memory_space<vmem>>
      %dma_start3A_314 = tpu.memref_squeeze %dma_start3A_313 : memref<1x32x128xf32, #tpu.memory_space<vmem>> -> memref<32x128xf32, #tpu.memory_space<vmem>>
      %dma_start3A_315 = arith.constant 0 : i32
      %dma_start3A_316 = tpu.memref_slice %arg5[%dma_start3A_315, %multiple_of3A_290] : memref<32x1000000xf32, #tpu.memory_space<hbm>> -> memref<32x128xf32, #tpu.memory_space<hbm>>
      tpu.enqueue_dma source(%dma_start3A_316 : memref<32x128xf32, #tpu.memory_space<hbm>>) target(%dma_start3A_314 : memref<32x128xf32, #tpu.memory_space<vmem>>) target_semaphore(%arg15 : memref<!tpu.dma_semaphore, #tpu.memory_space<semaphore_mem>>)
      %dma_wait3A = arith.constant 0 : i32
      %dma_wait3A_317 = arith.constant 0 : i32
      %dma_wait3A_318 = arith.constant 0 : i32
      %dma_wait3A_319 = tpu.memref_slice %arg9[%dma_wait3A, %dma_wait3A_317, %dma_wait3A_318] : memref<4x32x128xf32, #tpu.memory_space<vmem>> -> memref<1x32x128xf32, #tpu.memory_space<vmem>>
      %dma_wait3A_320 = tpu.memref_squeeze %dma_wait3A_319 : memref<1x32x128xf32, #tpu.memory_space<vmem>> -> memref<32x128xf32, #tpu.memory_space<vmem>>
      %dma_wait3A_321 = arith.constant 0 : i32
      %dma_wait3A_322 = arith.constant 0 : i32
      %dma_wait3A_323 = tpu.memref_slice %arg4[%dma_wait3A_321, %dma_wait3A_322] : memref<32x1000000xf32, #tpu.memory_space<hbm>> -> memref<32x128xf32, #tpu.memory_space<hbm>>
      %dma_wait3A_324 = arith.constant 0 : i32
      %dma_wait3A_325 = arith.constant 0 : i32
      %dma_wait3A_326 = tpu.memref_slice %arg9[%dma_wait3A, %dma_wait3A_324, %dma_wait3A_325] : memref<4x32x128xf32, #tpu.memory_space<vmem>> -> memref<1x32x128xf32, #tpu.memory_space<vmem>>
      %dma_wait3A_327 = tpu.memref_squeeze %dma_wait3A_326 : memref<1x32x128xf32, #tpu.memory_space<vmem>> -> memref<32x128xf32, #tpu.memory_space<vmem>>
      %dma_wait3A_328 = arith.constant 0 : i32
      %dma_wait3A_329 = arith.constant 0 : i32
      %dma_wait3A_330 = tpu.memref_slice %arg4[%dma_wait3A_328, %dma_wait3A_329] : memref<32x1000000xf32, #tpu.memory_space<hbm>> -> memref<32x128xf32, #tpu.memory_space<hbm>>
      tpu.wait_dma2 semaphore(%arg14 : memref<!tpu.dma_semaphore, #tpu.memory_space<semaphore_mem>>) src(%dma_wait3A_330 : memref<32x128xf32, #tpu.memory_space<hbm>>) dst(%dma_wait3A_327 : memref<32x128xf32, #tpu.memory_space<vmem>>)
      %dma_wait3A_331 = arith.constant 0 : i32
      %dma_wait3A_332 = arith.constant 0 : i32
      %dma_wait3A_333 = arith.constant 0 : i32
      %dma_wait3A_334 = tpu.memref_slice %arg10[%dma_wait3A_331, %dma_wait3A_332, %dma_wait3A_333] : memref<4x32x128xf32, #tpu.memory_space<vmem>> -> memref<1x32x128xf32, #tpu.memory_space<vmem>>
      %dma_wait3A_335 = tpu.memref_squeeze %dma_wait3A_334 : memref<1x32x128xf32, #tpu.memory_space<vmem>> -> memref<32x128xf32, #tpu.memory_space<vmem>>
      %dma_wait3A_336 = arith.constant 0 : i32
      %dma_wait3A_337 = arith.constant 0 : i32
      %dma_wait3A_338 = tpu.memref_slice %arg4[%dma_wait3A_336, %dma_wait3A_337] : memref<32x1000000xf32, #tpu.memory_space<hbm>> -> memref<32x128xf32, #tpu.memory_space<hbm>>
      %dma_wait3A_339 = arith.constant 0 : i32
      %dma_wait3A_340 = arith.constant 0 : i32
      %dma_wait3A_341 = tpu.memref_slice %arg10[%dma_wait3A_331, %dma_wait3A_339, %dma_wait3A_340] : memref<4x32x128xf32, #tpu.memory_space<vmem>> -> memref<1x32x128xf32, #tpu.memory_space<vmem>>
      %dma_wait3A_342 = tpu.memref_squeeze %dma_wait3A_341 : memref<1x32x128xf32, #tpu.memory_space<vmem>> -> memref<32x128xf32, #tpu.memory_space<vmem>>
      %dma_wait3A_343 = arith.constant 0 : i32
      %dma_wait3A_344 = arith.constant 0 : i32
      %dma_wait3A_345 = tpu.memref_slice %arg4[%dma_wait3A_343, %dma_wait3A_344] : memref<32x1000000xf32, #tpu.memory_space<hbm>> -> memref<32x128xf32, #tpu.memory_space<hbm>>
      tpu.wait_dma2 semaphore(%arg14 : memref<!tpu.dma_semaphore, #tpu.memory_space<semaphore_mem>>) src(%dma_wait3A_345 : memref<32x128xf32, #tpu.memory_space<hbm>>) dst(%dma_wait3A_342 : memref<32x128xf32, #tpu.memory_space<vmem>>)
      %dma_wait3A_346 = arith.constant 1 : i32
      %dma_wait3A_347 = arith.constant 0 : i32
      %dma_wait3A_348 = arith.constant 0 : i32
      %dma_wait3A_349 = tpu.memref_slice %arg9[%dma_wait3A_346, %dma_wait3A_347, %dma_wait3A_348] : memref<4x32x128xf32, #tpu.memory_space<vmem>> -> memref<1x32x128xf32, #tpu.memory_space<vmem>>
      %dma_wait3A_350 = tpu.memref_squeeze %dma_wait3A_349 : memref<1x32x128xf32, #tpu.memory_space<vmem>> -> memref<32x128xf32, #tpu.memory_space<vmem>>
      %dma_wait3A_351 = arith.constant 0 : i32
      %dma_wait3A_352 = arith.constant 0 : i32
      %dma_wait3A_353 = tpu.memref_slice %arg4[%dma_wait3A_351, %dma_wait3A_352] : memref<32x1000000xf32, #tpu.memory_space<hbm>> -> memref<32x128xf32, #tpu.memory_space<hbm>>
      %dma_wait3A_354 = arith.constant 0 : i32
      %dma_wait3A_355 = arith.constant 0 : i32
      %dma_wait3A_356 = tpu.memref_slice %arg9[%dma_wait3A_346, %dma_wait3A_354, %dma_wait3A_355] : memref<4x32x128xf32, #tpu.memory_space<vmem>> -> memref<1x32x128xf32, #tpu.memory_space<vmem>>
      %dma_wait3A_357 = tpu.memref_squeeze %dma_wait3A_356 : memref<1x32x128xf32, #tpu.memory_space<vmem>> -> memref<32x128xf32, #tpu.memory_space<vmem>>
      %dma_wait3A_358 = arith.constant 0 : i32
      %dma_wait3A_359 = arith.constant 0 : i32
      %dma_wait3A_360 = tpu.memref_slice %arg4[%dma_wait3A_358, %dma_wait3A_359] : memref<32x1000000xf32, #tpu.memory_space<hbm>> -> memref<32x128xf32, #tpu.memory_space<hbm>>
      tpu.wait_dma2 semaphore(%arg14 : memref<!tpu.dma_semaphore, #tpu.memory_space<semaphore_mem>>) src(%dma_wait3A_360 : memref<32x128xf32, #tpu.memory_space<hbm>>) dst(%dma_wait3A_357 : memref<32x128xf32, #tpu.memory_space<vmem>>)
      %dma_wait3A_361 = arith.constant 1 : i32
      %dma_wait3A_362 = arith.constant 0 : i32
      %dma_wait3A_363 = arith.constant 0 : i32
      %dma_wait3A_364 = tpu.memref_slice %arg10[%dma_wait3A_361, %dma_wait3A_362, %dma_wait3A_363] : memref<4x32x128xf32, #tpu.memory_space<vmem>> -> memref<1x32x128xf32, #tpu.memory_space<vmem>>
      %dma_wait3A_365 = tpu.memref_squeeze %dma_wait3A_364 : memref<1x32x128xf32, #tpu.memory_space<vmem>> -> memref<32x128xf32, #tpu.memory_space<vmem>>
      %dma_wait3A_366 = arith.constant 0 : i32
      %dma_wait3A_367 = arith.constant 0 : i32
      %dma_wait3A_368 = tpu.memref_slice %arg4[%dma_wait3A_366, %dma_wait3A_367] : memref<32x1000000xf32, #tpu.memory_space<hbm>> -> memref<32x128xf32, #tpu.memory_space<hbm>>
      %dma_wait3A_369 = arith.constant 0 : i32
      %dma_wait3A_370 = arith.constant 0 : i32
      %dma_wait3A_371 = tpu.memref_slice %arg10[%dma_wait3A_361, %dma_wait3A_369, %dma_wait3A_370] : memref<4x32x128xf32, #tpu.memory_space<vmem>> -> memref<1x32x128xf32, #tpu.memory_space<vmem>>
      %dma_wait3A_372 = tpu.memref_squeeze %dma_wait3A_371 : memref<1x32x128xf32, #tpu.memory_space<vmem>> -> memref<32x128xf32, #tpu.memory_space<vmem>>
      %dma_wait3A_373 = arith.constant 0 : i32
      %dma_wait3A_374 = arith.constant 0 : i32
      %dma_wait3A_375 = tpu.memref_slice %arg4[%dma_wait3A_373, %dma_wait3A_374] : memref<32x1000000xf32, #tpu.memory_space<hbm>> -> memref<32x128xf32, #tpu.memory_space<hbm>>
      tpu.wait_dma2 semaphore(%arg14 : memref<!tpu.dma_semaphore, #tpu.memory_space<semaphore_mem>>) src(%dma_wait3A_375 : memref<32x128xf32, #tpu.memory_space<hbm>>) dst(%dma_wait3A_372 : memref<32x128xf32, #tpu.memory_space<vmem>>)
      %dma_wait3A_376 = arith.constant 2 : i32
      %dma_wait3A_377 = arith.constant 0 : i32
      %dma_wait3A_378 = arith.constant 0 : i32
      %dma_wait3A_379 = tpu.memref_slice %arg9[%dma_wait3A_376, %dma_wait3A_377, %dma_wait3A_378] : memref<4x32x128xf32, #tpu.memory_space<vmem>> -> memref<1x32x128xf32, #tpu.memory_space<vmem>>
      %dma_wait3A_380 = tpu.memref_squeeze %dma_wait3A_379 : memref<1x32x128xf32, #tpu.memory_space<vmem>> -> memref<32x128xf32, #tpu.memory_space<vmem>>
      %dma_wait3A_381 = arith.constant 0 : i32
      %dma_wait3A_382 = arith.constant 0 : i32
      %dma_wait3A_383 = tpu.memref_slice %arg4[%dma_wait3A_381, %dma_wait3A_382] : memref<32x1000000xf32, #tpu.memory_space<hbm>> -> memref<32x128xf32, #tpu.memory_space<hbm>>
      %dma_wait3A_384 = arith.constant 0 : i32
      %dma_wait3A_385 = arith.constant 0 : i32
      %dma_wait3A_386 = tpu.memref_slice %arg9[%dma_wait3A_376, %dma_wait3A_384, %dma_wait3A_385] : memref<4x32x128xf32, #tpu.memory_space<vmem>> -> memref<1x32x128xf32, #tpu.memory_space<vmem>>
      %dma_wait3A_387 = tpu.memref_squeeze %dma_wait3A_386 : memref<1x32x128xf32, #tpu.memory_space<vmem>> -> memref<32x128xf32, #tpu.memory_space<vmem>>
      %dma_wait3A_388 = arith.constant 0 : i32
      %dma_wait3A_389 = arith.constant 0 : i32
      %dma_wait3A_390 = tpu.memref_slice %arg4[%dma_wait3A_388, %dma_wait3A_389] : memref<32x1000000xf32, #tpu.memory_space<hbm>> -> memref<32x128xf32, #tpu.memory_space<hbm>>
      tpu.wait_dma2 semaphore(%arg14 : memref<!tpu.dma_semaphore, #tpu.memory_space<semaphore_mem>>) src(%dma_wait3A_390 : memref<32x128xf32, #tpu.memory_space<hbm>>) dst(%dma_wait3A_387 : memref<32x128xf32, #tpu.memory_space<vmem>>)
      %dma_wait3A_391 = arith.constant 2 : i32
      %dma_wait3A_392 = arith.constant 0 : i32
      %dma_wait3A_393 = arith.constant 0 : i32
      %dma_wait3A_394 = tpu.memref_slice %arg10[%dma_wait3A_391, %dma_wait3A_392, %dma_wait3A_393] : memref<4x32x128xf32, #tpu.memory_space<vmem>> -> memref<1x32x128xf32, #tpu.memory_space<vmem>>
      %dma_wait3A_395 = tpu.memref_squeeze %dma_wait3A_394 : memref<1x32x128xf32, #tpu.memory_space<vmem>> -> memref<32x128xf32, #tpu.memory_space<vmem>>
      %dma_wait3A_396 = arith.constant 0 : i32
      %dma_wait3A_397 = arith.constant 0 : i32
      %dma_wait3A_398 = tpu.memref_slice %arg4[%dma_wait3A_396, %dma_wait3A_397] : memref<32x1000000xf32, #tpu.memory_space<hbm>> -> memref<32x128xf32, #tpu.memory_space<hbm>>
      %dma_wait3A_399 = arith.constant 0 : i32
      %dma_wait3A_400 = arith.constant 0 : i32
      %dma_wait3A_401 = tpu.memref_slice %arg10[%dma_wait3A_391, %dma_wait3A_399, %dma_wait3A_400] : memref<4x32x128xf32, #tpu.memory_space<vmem>> -> memref<1x32x128xf32, #tpu.memory_space<vmem>>
      %dma_wait3A_402 = tpu.memref_squeeze %dma_wait3A_401 : memref<1x32x128xf32, #tpu.memory_space<vmem>> -> memref<32x128xf32, #tpu.memory_space<vmem>>
      %dma_wait3A_403 = arith.constant 0 : i32
      %dma_wait3A_404 = arith.constant 0 : i32
      %dma_wait3A_405 = tpu.memref_slice %arg4[%dma_wait3A_403, %dma_wait3A_404] : memref<32x1000000xf32, #tpu.memory_space<hbm>> -> memref<32x128xf32, #tpu.memory_space<hbm>>
      tpu.wait_dma2 semaphore(%arg14 : memref<!tpu.dma_semaphore, #tpu.memory_space<semaphore_mem>>) src(%dma_wait3A_405 : memref<32x128xf32, #tpu.memory_space<hbm>>) dst(%dma_wait3A_402 : memref<32x128xf32, #tpu.memory_space<vmem>>)
      %dma_wait3A_406 = arith.constant 3 : i32
      %dma_wait3A_407 = arith.constant 0 : i32
      %dma_wait3A_408 = arith.constant 0 : i32
      %dma_wait3A_409 = tpu.memref_slice %arg9[%dma_wait3A_406, %dma_wait3A_407, %dma_wait3A_408] : memref<4x32x128xf32, #tpu.memory_space<vmem>> -> memref<1x32x128xf32, #tpu.memory_space<vmem>>
      %dma_wait3A_410 = tpu.memref_squeeze %dma_wait3A_409 : memref<1x32x128xf32, #tpu.memory_space<vmem>> -> memref<32x128xf32, #tpu.memory_space<vmem>>
      %dma_wait3A_411 = arith.constant 0 : i32
      %dma_wait3A_412 = arith.constant 0 : i32
      %dma_wait3A_413 = tpu.memref_slice %arg4[%dma_wait3A_411, %dma_wait3A_412] : memref<32x1000000xf32, #tpu.memory_space<hbm>> -> memref<32x128xf32, #tpu.memory_space<hbm>>
      %dma_wait3A_414 = arith.constant 0 : i32
      %dma_wait3A_415 = arith.constant 0 : i32
      %dma_wait3A_416 = tpu.memref_slice %arg9[%dma_wait3A_406, %dma_wait3A_414, %dma_wait3A_415] : memref<4x32x128xf32, #tpu.memory_space<vmem>> -> memref<1x32x128xf32, #tpu.memory_space<vmem>>
      %dma_wait3A_417 = tpu.memref_squeeze %dma_wait3A_416 : memref<1x32x128xf32, #tpu.memory_space<vmem>> -> memref<32x128xf32, #tpu.memory_space<vmem>>
      %dma_wait3A_418 = arith.constant 0 : i32
      %dma_wait3A_419 = arith.constant 0 : i32
      %dma_wait3A_420 = tpu.memref_slice %arg4[%dma_wait3A_418, %dma_wait3A_419] : memref<32x1000000xf32, #tpu.memory_space<hbm>> -> memref<32x128xf32, #tpu.memory_space<hbm>>
      tpu.wait_dma2 semaphore(%arg14 : memref<!tpu.dma_semaphore, #tpu.memory_space<semaphore_mem>>) src(%dma_wait3A_420 : memref<32x128xf32, #tpu.memory_space<hbm>>) dst(%dma_wait3A_417 : memref<32x128xf32, #tpu.memory_space<vmem>>)
      %dma_wait3A_421 = arith.constant 3 : i32
      %dma_wait3A_422 = arith.constant 0 : i32
      %dma_wait3A_423 = arith.constant 0 : i32
      %dma_wait3A_424 = tpu.memref_slice %arg10[%dma_wait3A_421, %dma_wait3A_422, %dma_wait3A_423] : memref<4x32x128xf32, #tpu.memory_space<vmem>> -> memref<1x32x128xf32, #tpu.memory_space<vmem>>
      %dma_wait3A_425 = tpu.memref_squeeze %dma_wait3A_424 : memref<1x32x128xf32, #tpu.memory_space<vmem>> -> memref<32x128xf32, #tpu.memory_space<vmem>>
      %dma_wait3A_426 = arith.constant 0 : i32
      %dma_wait3A_427 = arith.constant 0 : i32
      %dma_wait3A_428 = tpu.memref_slice %arg4[%dma_wait3A_426, %dma_wait3A_427] : memref<32x1000000xf32, #tpu.memory_space<hbm>> -> memref<32x128xf32, #tpu.memory_space<hbm>>
      %dma_wait3A_429 = arith.constant 0 : i32
      %dma_wait3A_430 = arith.constant 0 : i32
      %dma_wait3A_431 = tpu.memref_slice %arg10[%dma_wait3A_421, %dma_wait3A_429, %dma_wait3A_430] : memref<4x32x128xf32, #tpu.memory_space<vmem>> -> memref<1x32x128xf32, #tpu.memory_space<vmem>>
      %dma_wait3A_432 = tpu.memref_squeeze %dma_wait3A_431 : memref<1x32x128xf32, #tpu.memory_space<vmem>> -> memref<32x128xf32, #tpu.memory_space<vmem>>
      %dma_wait3A_433 = arith.constant 0 : i32
      %dma_wait3A_434 = arith.constant 0 : i32
      %dma_wait3A_435 = tpu.memref_slice %arg4[%dma_wait3A_433, %dma_wait3A_434] : memref<32x1000000xf32, #tpu.memory_space<hbm>> -> memref<32x128xf32, #tpu.memory_space<hbm>>
      tpu.wait_dma2 semaphore(%arg14 : memref<!tpu.dma_semaphore, #tpu.memory_space<semaphore_mem>>) src(%dma_wait3A_435 : memref<32x128xf32, #tpu.memory_space<hbm>>) dst(%dma_wait3A_432 : memref<32x128xf32, #tpu.memory_space<vmem>>)
      %slice3A_436 = vector.extract_strided_slice %get3A_156 {offsets = [0], sizes = [1], strides = [1]} : vector<16xi32> to vector<1xi32>
      %squeeze3A_437 = vector.extract %slice3A_436[0] : i32 from vector<1xi32>
      %and3A_438 = arith.constant 127 : i32
      %and3A_439 = arith.andi %squeeze3A_437, %and3A_438 : i32
      %broadcast_in_dim3A_440 = vector.broadcast %and3A_439 : i32 to vector<16xi32>
      %slice3A_441 = vector.extract_strided_slice %get3A_160 {offsets = [0], sizes = [1], strides = [1]} : vector<16xi32> to vector<1xi32>
      %squeeze3A_442 = vector.extract %slice3A_441[0] : i32 from vector<1xi32>
      %and3A_443 = arith.constant 127 : i32
      %and3A_444 = arith.andi %squeeze3A_442, %and3A_443 : i32
      %broadcast_in_dim3A_445 = vector.broadcast %and3A_444 : i32 to vector<16xi32>
      %gather3A = arith.constant 0 : i32
      %gather3A_446 = arith.constant 0 : i32
      %gather3A_447 = arith.constant 0 : i32
      %gather3A_448 = tpu.memref_slice %arg9[%gather3A, %gather3A_446, %gather3A_447] : memref<4x32x128xf32, #tpu.memory_space<vmem>> -> memref<1x32x128xf32, #tpu.memory_space<vmem>>
      %gather3A_449 = tpu.memref_squeeze %gather3A_448 : memref<1x32x128xf32, #tpu.memory_space<vmem>> -> memref<32x128xf32, #tpu.memory_space<vmem>>
      %gather3A_450 = tpu.vector_load_idx %gather3A_449[%iota3A, %broadcast_in_dim3A_440] : memref<32x128xf32, #tpu.memory_space<vmem>>[vector<16xi32>, vector<16xi32>], vector<16xf32>,
      %add3A_451 = arith.constant 16 : i32
      %add3A_452 = vector.broadcast %add3A_451 : i32 to vector<16xi32>
      %add3A_453 = arith.addi %iota3A, %add3A_452 : vector<16xi32>
      %gather3A_454 = arith.constant 0 : i32
      %gather3A_455 = arith.constant 0 : i32
      %gather3A_456 = arith.constant 0 : i32
      %gather3A_457 = tpu.memref_slice %arg9[%gather3A_454, %gather3A_455, %gather3A_456] : memref<4x32x128xf32, #tpu.memory_space<vmem>> -> memref<1x32x128xf32, #tpu.memory_space<vmem>>
      %gather3A_458 = tpu.memref_squeeze %gather3A_457 : memref<1x32x128xf32, #tpu.memory_space<vmem>> -> memref<32x128xf32, #tpu.memory_space<vmem>>
      %gather3A_459 = tpu.vector_load_idx %gather3A_458[%add3A_453, %broadcast_in_dim3A_440] : memref<32x128xf32, #tpu.memory_space<vmem>>[vector<16xi32>, vector<16xi32>], vector<16xf32>,
      %gather3A_460 = arith.constant 0 : i32
      %gather3A_461 = arith.constant 0 : i32
      %gather3A_462 = arith.constant 0 : i32
      %gather3A_463 = tpu.memref_slice %arg10[%gather3A_460, %gather3A_461, %gather3A_462] : memref<4x32x128xf32, #tpu.memory_space<vmem>> -> memref<1x32x128xf32, #tpu.memory_space<vmem>>
      %gather3A_464 = tpu.memref_squeeze %gather3A_463 : memref<1x32x128xf32, #tpu.memory_space<vmem>> -> memref<32x128xf32, #tpu.memory_space<vmem>>
      %gather3A_465 = tpu.vector_load_idx %gather3A_464[%iota3A, %broadcast_in_dim3A_445] : memref<32x128xf32, #tpu.memory_space<vmem>>[vector<16xi32>, vector<16xi32>], vector<16xf32>,
      %add3A_466 = arith.constant 16 : i32
      %add3A_467 = vector.broadcast %add3A_466 : i32 to vector<16xi32>
      %add3A_468 = arith.addi %iota3A, %add3A_467 : vector<16xi32>
      %gather3A_469 = arith.constant 0 : i32
      %gather3A_470 = arith.constant 0 : i32
      %gather3A_471 = arith.constant 0 : i32
      %gather3A_472 = tpu.memref_slice %arg10[%gather3A_469, %gather3A_470, %gather3A_471] : memref<4x32x128xf32, #tpu.memory_space<vmem>> -> memref<1x32x128xf32, #tpu.memory_space<vmem>>
      %gather3A_473 = tpu.memref_squeeze %gather3A_472 : memref<1x32x128xf32, #tpu.memory_space<vmem>> -> memref<32x128xf32, #tpu.memory_space<vmem>>
      %gather3A_474 = tpu.vector_load_idx %gather3A_473[%add3A_468, %broadcast_in_dim3A_445] : memref<32x128xf32, #tpu.memory_space<vmem>>[vector<16xi32>, vector<16xi32>], vector<16xf32>,
      %mul3A_475 = arith.mulf %gather3A_450, %gather3A_465 : vector<16xf32>
      %mul3A_476 = arith.mulf %gather3A_459, %gather3A_474 : vector<16xf32>
      %add3A_477 = arith.addf %mul3A_475, %mul3A_476 : vector<16xf32>
      %add3A_478 = arith.constant 0 : i32
      %add3A_479 = arith.addi %mul3A_172, %add3A_478 : i32
      %eq3A_480 = vector.broadcast %add3A_479 : i32 to vector<16xi32>
      %eq3A_481 = arith.cmpi eq, %iota3A, %eq3A_480 : vector<16xi32>
      %reduce_sum3A = arith.constant true
      %reduce_sum3A_482 = vector.broadcast %reduce_sum3A : i1 to vector<16xi1>
      %reduce_sum3A_483 = tpu.scan <sum>, %add3A_477 masked %reduce_sum3A_482 : vector<16xf32>, vector<16xi1> -> vector<16xf32>
      %reduce_sum3A_484 = vector.extract %reduce_sum3A_483[15] : f32 from vector<16xf32>
      %broadcast_in_dim3A_485 = vector.broadcast %reduce_sum3A_484 : f32 to vector<16xf32>
      %select_n3A_486 = arith.select %eq3A_481, %broadcast_in_dim3A_485, %scan3A_152 : vector<16xi1>, vector<16xf32>
      %slice3A_487 = vector.extract_strided_slice %get3A_156 {offsets = [1], sizes = [1], strides = [1]} : vector<16xi32> to vector<1xi32>
      %squeeze3A_488 = vector.extract %slice3A_487[0] : i32 from vector<1xi32>
      %and3A_489 = arith.constant 127 : i32
      %and3A_490 = arith.andi %squeeze3A_488, %and3A_489 : i32
      %broadcast_in_dim3A_491 = vector.broadcast %and3A_490 : i32 to vector<16xi32>
      %slice3A_492 = vector.extract_strided_slice %get3A_160 {offsets = [1], sizes = [1], strides = [1]} : vector<16xi32> to vector<1xi32>
      %squeeze3A_493 = vector.extract %slice3A_492[0] : i32 from vector<1xi32>
      %and3A_494 = arith.constant 127 : i32
      %and3A_495 = arith.andi %squeeze3A_493, %and3A_494 : i32
      %broadcast_in_dim3A_496 = vector.broadcast %and3A_495 : i32 to vector<16xi32>
      %gather3A_497 = arith.constant 1 : i32
      %gather3A_498 = arith.constant 0 : i32
      %gather3A_499 = arith.constant 0 : i32
      %gather3A_500 = tpu.memref_slice %arg9[%gather3A_497, %gather3A_498, %gather3A_499] : memref<4x32x128xf32, #tpu.memory_space<vmem>> -> memref<1x32x128xf32, #tpu.memory_space<vmem>>
      %gather3A_501 = tpu.memref_squeeze %gather3A_500 : memref<1x32x128xf32, #tpu.memory_space<vmem>> -> memref<32x128xf32, #tpu.memory_space<vmem>>
      %gather3A_502 = tpu.vector_load_idx %gather3A_501[%iota3A, %broadcast_in_dim3A_491] : memref<32x128xf32, #tpu.memory_space<vmem>>[vector<16xi32>, vector<16xi32>], vector<16xf32>,
      %add3A_503 = arith.constant 16 : i32
      %add3A_504 = vector.broadcast %add3A_503 : i32 to vector<16xi32>
      %add3A_505 = arith.addi %iota3A, %add3A_504 : vector<16xi32>
      %gather3A_506 = arith.constant 1 : i32
      %gather3A_507 = arith.constant 0 : i32
      %gather3A_508 = arith.constant 0 : i32
      %gather3A_509 = tpu.memref_slice %arg9[%gather3A_506, %gather3A_507, %gather3A_508] : memref<4x32x128xf32, #tpu.memory_space<vmem>> -> memref<1x32x128xf32, #tpu.memory_space<vmem>>
      %gather3A_510 = tpu.memref_squeeze %gather3A_509 : memref<1x32x128xf32, #tpu.memory_space<vmem>> -> memref<32x128xf32, #tpu.memory_space<vmem>>
      %gather3A_511 = tpu.vector_load_idx %gather3A_510[%add3A_505, %broadcast_in_dim3A_491] : memref<32x128xf32, #tpu.memory_space<vmem>>[vector<16xi32>, vector<16xi32>], vector<16xf32>,
      %gather3A_512 = arith.constant 1 : i32
      %gather3A_513 = arith.constant 0 : i32
      %gather3A_514 = arith.constant 0 : i32
      %gather3A_515 = tpu.memref_slice %arg10[%gather3A_512, %gather3A_513, %gather3A_514] : memref<4x32x128xf32, #tpu.memory_space<vmem>> -> memref<1x32x128xf32, #tpu.memory_space<vmem>>
      %gather3A_516 = tpu.memref_squeeze %gather3A_515 : memref<1x32x128xf32, #tpu.memory_space<vmem>> -> memref<32x128xf32, #tpu.memory_space<vmem>>
      %gather3A_517 = tpu.vector_load_idx %gather3A_516[%iota3A, %broadcast_in_dim3A_496] : memref<32x128xf32, #tpu.memory_space<vmem>>[vector<16xi32>, vector<16xi32>], vector<16xf32>,
      %add3A_518 = arith.constant 16 : i32
      %add3A_519 = vector.broadcast %add3A_518 : i32 to vector<16xi32>
      %add3A_520 = arith.addi %iota3A, %add3A_519 : vector<16xi32>
      %gather3A_521 = arith.constant 1 : i32
      %gather3A_522 = arith.constant 0 : i32
      %gather3A_523 = arith.constant 0 : i32
      %gather3A_524 = tpu.memref_slice %arg10[%gather3A_521, %gather3A_522, %gather3A_523] : memref<4x32x128xf32, #tpu.memory_space<vmem>> -> memref<1x32x128xf32, #tpu.memory_space<vmem>>
      %gather3A_525 = tpu.memref_squeeze %gather3A_524 : memref<1x32x128xf32, #tpu.memory_space<vmem>> -> memref<32x128xf32, #tpu.memory_space<vmem>>
      %gather3A_526 = tpu.vector_load_idx %gather3A_525[%add3A_520, %broadcast_in_dim3A_496] : memref<32x128xf32, #tpu.memory_space<vmem>>[vector<16xi32>, vector<16xi32>], vector<16xf32>,
      %mul3A_527 = arith.mulf %gather3A_502, %gather3A_517 : vector<16xf32>
      %mul3A_528 = arith.mulf %gather3A_511, %gather3A_526 : vector<16xf32>
      %add3A_529 = arith.addf %mul3A_527, %mul3A_528 : vector<16xf32>
      %add3A_530 = arith.constant 1 : i32
      %add3A_531 = arith.addi %mul3A_172, %add3A_530 : i32
      %eq3A_532 = vector.broadcast %add3A_531 : i32 to vector<16xi32>
      %eq3A_533 = arith.cmpi eq, %iota3A, %eq3A_532 : vector<16xi32>
      %reduce_sum3A_534 = arith.constant true
      %reduce_sum3A_535 = vector.broadcast %reduce_sum3A_534 : i1 to vector<16xi1>
      %reduce_sum3A_536 = tpu.scan <sum>, %add3A_529 masked %reduce_sum3A_535 : vector<16xf32>, vector<16xi1> -> vector<16xf32>
      %reduce_sum3A_537 = vector.extract %reduce_sum3A_536[15] : f32 from vector<16xf32>
      %broadcast_in_dim3A_538 = vector.broadcast %reduce_sum3A_537 : f32 to vector<16xf32>
      %select_n3A_539 = arith.select %eq3A_533, %broadcast_in_dim3A_538, %select_n3A_486 : vector<16xi1>, vector<16xf32>
      %slice3A_540 = vector.extract_strided_slice %get3A_156 {offsets = [2], sizes = [1], strides = [1]} : vector<16xi32> to vector<1xi32>
      %squeeze3A_541 = vector.extract %slice3A_540[0] : i32 from vector<1xi32>
      %and3A_542 = arith.constant 127 : i32
      %and3A_543 = arith.andi %squeeze3A_541, %and3A_542 : i32
      %broadcast_in_dim3A_544 = vector.broadcast %and3A_543 : i32 to vector<16xi32>
      %slice3A_545 = vector.extract_strided_slice %get3A_160 {offsets = [2], sizes = [1], strides = [1]} : vector<16xi32> to vector<1xi32>
      %squeeze3A_546 = vector.extract %slice3A_545[0] : i32 from vector<1xi32>
      %and3A_547 = arith.constant 127 : i32
      %and3A_548 = arith.andi %squeeze3A_546, %and3A_547 : i32
      %broadcast_in_dim3A_549 = vector.broadcast %and3A_548 : i32 to vector<16xi32>
      %gather3A_550 = arith.constant 2 : i32
      %gather3A_551 = arith.constant 0 : i32
      %gather3A_552 = arith.constant 0 : i32
      %gather3A_553 = tpu.memref_slice %arg9[%gather3A_550, %gather3A_551, %gather3A_552] : memref<4x32x128xf32, #tpu.memory_space<vmem>> -> memref<1x32x128xf32, #tpu.memory_space<vmem>>
      %gather3A_554 = tpu.memref_squeeze %gather3A_553 : memref<1x32x128xf32, #tpu.memory_space<vmem>> -> memref<32x128xf32, #tpu.memory_space<vmem>>
      %gather3A_555 = tpu.vector_load_idx %gather3A_554[%iota3A, %broadcast_in_dim3A_544] : memref<32x128xf32, #tpu.memory_space<vmem>>[vector<16xi32>, vector<16xi32>], vector<16xf32>,
      %add3A_556 = arith.constant 16 : i32
      %add3A_557 = vector.broadcast %add3A_556 : i32 to vector<16xi32>
      %add3A_558 = arith.addi %iota3A, %add3A_557 : vector<16xi32>
      %gather3A_559 = arith.constant 2 : i32
      %gather3A_560 = arith.constant 0 : i32
      %gather3A_561 = arith.constant 0 : i32
      %gather3A_562 = tpu.memref_slice %arg9[%gather3A_559, %gather3A_560, %gather3A_561] : memref<4x32x128xf32, #tpu.memory_space<vmem>> -> memref<1x32x128xf32, #tpu.memory_space<vmem>>
      %gather3A_563 = tpu.memref_squeeze %gather3A_562 : memref<1x32x128xf32, #tpu.memory_space<vmem>> -> memref<32x128xf32, #tpu.memory_space<vmem>>
      %gather3A_564 = tpu.vector_load_idx %gather3A_563[%add3A_558, %broadcast_in_dim3A_544] : memref<32x128xf32, #tpu.memory_space<vmem>>[vector<16xi32>, vector<16xi32>], vector<16xf32>,
      %gather3A_565 = arith.constant 2 : i32
      %gather3A_566 = arith.constant 0 : i32
      %gather3A_567 = arith.constant 0 : i32
      %gather3A_568 = tpu.memref_slice %arg10[%gather3A_565, %gather3A_566, %gather3A_567] : memref<4x32x128xf32, #tpu.memory_space<vmem>> -> memref<1x32x128xf32, #tpu.memory_space<vmem>>
      %gather3A_569 = tpu.memref_squeeze %gather3A_568 : memref<1x32x128xf32, #tpu.memory_space<vmem>> -> memref<32x128xf32, #tpu.memory_space<vmem>>
      %gather3A_570 = tpu.vector_load_idx %gather3A_569[%iota3A, %broadcast_in_dim3A_549] : memref<32x128xf32, #tpu.memory_space<vmem>>[vector<16xi32>, vector<16xi32>], vector<16xf32>,
      %add3A_571 = arith.constant 16 : i32
      %add3A_572 = vector.broadcast %add3A_571 : i32 to vector<16xi32>
      %add3A_573 = arith.addi %iota3A, %add3A_572 : vector<16xi32>
      %gather3A_574 = arith.constant 2 : i32
      %gather3A_575 = arith.constant 0 : i32
      %gather3A_576 = arith.constant 0 : i32
      %gather3A_577 = tpu.memref_slice %arg10[%gather3A_574, %gather3A_575, %gather3A_576] : memref<4x32x128xf32, #tpu.memory_space<vmem>> -> memref<1x32x128xf32, #tpu.memory_space<vmem>>
      %gather3A_578 = tpu.memref_squeeze %gather3A_577 : memref<1x32x128xf32, #tpu.memory_space<vmem>> -> memref<32x128xf32, #tpu.memory_space<vmem>>
      %gather3A_579 = tpu.vector_load_idx %gather3A_578[%add3A_573, %broadcast_in_dim3A_549] : memref<32x128xf32, #tpu.memory_space<vmem>>[vector<16xi32>, vector<16xi32>], vector<16xf32>,
      %mul3A_580 = arith.mulf %gather3A_555, %gather3A_570 : vector<16xf32>
      %mul3A_581 = arith.mulf %gather3A_564, %gather3A_579 : vector<16xf32>
      %add3A_582 = arith.addf %mul3A_580, %mul3A_581 : vector<16xf32>
      %add3A_583 = arith.constant 2 : i32
      %add3A_584 = arith.addi %mul3A_172, %add3A_583 : i32
      %eq3A_585 = vector.broadcast %add3A_584 : i32 to vector<16xi32>
      %eq3A_586 = arith.cmpi eq, %iota3A, %eq3A_585 : vector<16xi32>
      %reduce_sum3A_587 = arith.constant true
      %reduce_sum3A_588 = vector.broadcast %reduce_sum3A_587 : i1 to vector<16xi1>
      %reduce_sum3A_589 = tpu.scan <sum>, %add3A_582 masked %reduce_sum3A_588 : vector<16xf32>, vector<16xi1> -> vector<16xf32>
      %reduce_sum3A_590 = vector.extract %reduce_sum3A_589[15] : f32 from vector<16xf32>
      %broadcast_in_dim3A_591 = vector.broadcast %reduce_sum3A_590 : f32 to vector<16xf32>
      %select_n3A_592 = arith.select %eq3A_586, %broadcast_in_dim3A_591, %select_n3A_539 : vector<16xi1>, vector<16xf32>
      %slice3A_593 = vector.extract_strided_slice %get3A_156 {offsets = [3], sizes = [1], strides = [1]} : vector<16xi32> to vector<1xi32>
      %squeeze3A_594 = vector.extract %slice3A_593[0] : i32 from vector<1xi32>
      %and3A_595 = arith.constant 127 : i32
      %and3A_596 = arith.andi %squeeze3A_594, %and3A_595 : i32
      %broadcast_in_dim3A_597 = vector.broadcast %and3A_596 : i32 to vector<16xi32>
      %slice3A_598 = vector.extract_strided_slice %get3A_160 {offsets = [3], sizes = [1], strides = [1]} : vector<16xi32> to vector<1xi32>
      %squeeze3A_599 = vector.extract %slice3A_598[0] : i32 from vector<1xi32>
      %and3A_600 = arith.constant 127 : i32
      %and3A_601 = arith.andi %squeeze3A_599, %and3A_600 : i32
      %broadcast_in_dim3A_602 = vector.broadcast %and3A_601 : i32 to vector<16xi32>
      %gather3A_603 = arith.constant 3 : i32
      %gather3A_604 = arith.constant 0 : i32
      %gather3A_605 = arith.constant 0 : i32
      %gather3A_606 = tpu.memref_slice %arg9[%gather3A_603, %gather3A_604, %gather3A_605] : memref<4x32x128xf32, #tpu.memory_space<vmem>> -> memref<1x32x128xf32, #tpu.memory_space<vmem>>
      %gather3A_607 = tpu.memref_squeeze %gather3A_606 : memref<1x32x128xf32, #tpu.memory_space<vmem>> -> memref<32x128xf32, #tpu.memory_space<vmem>>
      %gather3A_608 = tpu.vector_load_idx %gather3A_607[%iota3A, %broadcast_in_dim3A_597] : memref<32x128xf32, #tpu.memory_space<vmem>>[vector<16xi32>, vector<16xi32>], vector<16xf32>,
      %add3A_609 = arith.constant 16 : i32
      %add3A_610 = vector.broadcast %add3A_609 : i32 to vector<16xi32>
      %add3A_611 = arith.addi %iota3A, %add3A_610 : vector<16xi32>
      %gather3A_612 = arith.constant 3 : i32
      %gather3A_613 = arith.constant 0 : i32
      %gather3A_614 = arith.constant 0 : i32
      %gather3A_615 = tpu.memref_slice %arg9[%gather3A_612, %gather3A_613, %gather3A_614] : memref<4x32x128xf32, #tpu.memory_space<vmem>> -> memref<1x32x128xf32, #tpu.memory_space<vmem>>
      %gather3A_616 = tpu.memref_squeeze %gather3A_615 : memref<1x32x128xf32, #tpu.memory_space<vmem>> -> memref<32x128xf32, #tpu.memory_space<vmem>>
      %gather3A_617 = tpu.vector_load_idx %gather3A_616[%add3A_611, %broadcast_in_dim3A_597] : memref<32x128xf32, #tpu.memory_space<vmem>>[vector<16xi32>, vector<16xi32>], vector<16xf32>,
      %gather3A_618 = arith.constant 3 : i32
      %gather3A_619 = arith.constant 0 : i32
      %gather3A_620 = arith.constant 0 : i32
      %gather3A_621 = tpu.memref_slice %arg10[%gather3A_618, %gather3A_619, %gather3A_620] : memref<4x32x128xf32, #tpu.memory_space<vmem>> -> memref<1x32x128xf32, #tpu.memory_space<vmem>>
      %gather3A_622 = tpu.memref_squeeze %gather3A_621 : memref<1x32x128xf32, #tpu.memory_space<vmem>> -> memref<32x128xf32, #tpu.memory_space<vmem>>
      %gather3A_623 = tpu.vector_load_idx %gather3A_622[%iota3A, %broadcast_in_dim3A_602] : memref<32x128xf32, #tpu.memory_space<vmem>>[vector<16xi32>, vector<16xi32>], vector<16xf32>,
      %add3A_624 = arith.constant 16 : i32
      %add3A_625 = vector.broadcast %add3A_624 : i32 to vector<16xi32>
      %add3A_626 = arith.addi %iota3A, %add3A_625 : vector<16xi32>
      %gather3A_627 = arith.constant 3 : i32
      %gather3A_628 = arith.constant 0 : i32
      %gather3A_629 = arith.constant 0 : i32
      %gather3A_630 = tpu.memref_slice %arg10[%gather3A_627, %gather3A_628, %gather3A_629] : memref<4x32x128xf32, #tpu.memory_space<vmem>> -> memref<1x32x128xf32, #tpu.memory_space<vmem>>
      %gather3A_631 = tpu.memref_squeeze %gather3A_630 : memref<1x32x128xf32, #tpu.memory_space<vmem>> -> memref<32x128xf32, #tpu.memory_space<vmem>>
      %gather3A_632 = tpu.vector_load_idx %gather3A_631[%add3A_626, %broadcast_in_dim3A_602] : memref<32x128xf32, #tpu.memory_space<vmem>>[vector<16xi32>, vector<16xi32>], vector<16xf32>,
      %mul3A_633 = arith.mulf %gather3A_608, %gather3A_623 : vector<16xf32>
      %mul3A_634 = arith.mulf %gather3A_617, %gather3A_632 : vector<16xf32>
      %add3A_635 = arith.addf %mul3A_633, %mul3A_634 : vector<16xf32>
      %add3A_636 = arith.constant 3 : i32
      %add3A_637 = arith.addi %mul3A_172, %add3A_636 : i32
      %eq3A_638 = vector.broadcast %add3A_637 : i32 to vector<16xi32>
      %eq3A_639 = arith.cmpi eq, %iota3A, %eq3A_638 : vector<16xi32>
      %reduce_sum3A_640 = arith.constant true
      %reduce_sum3A_641 = vector.broadcast %reduce_sum3A_640 : i1 to vector<16xi1>
      %reduce_sum3A_642 = tpu.scan <sum>, %add3A_635 masked %reduce_sum3A_641 : vector<16xf32>, vector<16xi1> -> vector<16xf32>
      %reduce_sum3A_643 = vector.extract %reduce_sum3A_642[15] : f32 from vector<16xf32>
      %broadcast_in_dim3A_644 = vector.broadcast %reduce_sum3A_643 : f32 to vector<16xf32>
      %select_n3A_645 = arith.select %eq3A_639, %broadcast_in_dim3A_644, %select_n3A_592 : vector<16xi1>, vector<16xf32>
      %lt3A_646 = arith.constant 63 : i32
      %lt3A_647 = arith.cmpi slt, %scan3A_151, %lt3A_646 : i32
      %convert_element_type3A = arith.extui %lt3A_647 : i1 to i32
      %cond3A = arith.constant 0 : i32
      %cond3A_648 = arith.cmpi ne, %convert_element_type3A, %cond3A : i32
      scf.if %cond3A_648 {
        %slice3A_1025 = vector.extract_strided_slice %get3A_156 {offsets = [8], sizes = [1], strides = [1]} : vector<16xi32> to vector<1xi32>
        %squeeze3A_1026 = vector.extract %slice3A_1025[0] : i32 from vector<1xi32>
        %slice3A_1027 = vector.extract_strided_slice %get3A_160 {offsets = [8], sizes = [1], strides = [1]} : vector<16xi32> to vector<1xi32>
        %squeeze3A_1028 = vector.extract %slice3A_1027[0] : i32 from vector<1xi32>
        %and3A_1029 = arith.constant -128 : i32
        %and3A_1030 = arith.andi %squeeze3A_1026, %and3A_1029 : i32
        %multiple_of3A_1031 = tpu.assume_multiple %and3A_1030, 128 : i32
        %and3A_1032 = arith.constant -128 : i32
        %and3A_1033 = arith.andi %squeeze3A_1028, %and3A_1032 : i32
        %multiple_of3A_1034 = tpu.assume_multiple %and3A_1033, 128 : i32
        %dma_start3A_1035 = arith.constant 0 : i32
        %dma_start3A_1036 = arith.constant 0 : i32
        %dma_start3A_1037 = arith.constant 0 : i32
        %dma_start3A_1038 = tpu.memref_slice %arg9[%dma_start3A_1035, %dma_start3A_1036, %dma_start3A_1037] : memref<4x32x128xf32, #tpu.memory_space<vmem>> -> memref<1x32x128xf32, #tpu.memory_space<vmem>>
        %dma_start3A_1039 = tpu.memref_squeeze %dma_start3A_1038 : memref<1x32x128xf32, #tpu.memory_space<vmem>> -> memref<32x128xf32, #tpu.memory_space<vmem>>
        %dma_start3A_1040 = arith.constant 0 : i32
        %dma_start3A_1041 = tpu.memref_slice %arg4[%dma_start3A_1040, %multiple_of3A_1031] : memref<32x1000000xf32, #tpu.memory_space<hbm>> -> memref<32x128xf32, #tpu.memory_space<hbm>>
        %dma_start3A_1042 = arith.constant 0 : i32
        %dma_start3A_1043 = arith.constant 0 : i32
        %dma_start3A_1044 = tpu.memref_slice %arg9[%dma_start3A_1035, %dma_start3A_1042, %dma_start3A_1043] : memref<4x32x128xf32, #tpu.memory_space<vmem>> -> memref<1x32x128xf32, #tpu.memory_space<vmem>>
        %dma_start3A_1045 = tpu.memref_squeeze %dma_start3A_1044 : memref<1x32x128xf32, #tpu.memory_space<vmem>> -> memref<32x128xf32, #tpu.memory_space<vmem>>
        %dma_start3A_1046 = arith.constant 0 : i32
        %dma_start3A_1047 = tpu.memref_slice %arg4[%dma_start3A_1046, %multiple_of3A_1031] : memref<32x1000000xf32, #tpu.memory_space<hbm>> -> memref<32x128xf32, #tpu.memory_space<hbm>>
        tpu.enqueue_dma source(%dma_start3A_1047 : memref<32x128xf32, #tpu.memory_space<hbm>>) target(%dma_start3A_1045 : memref<32x128xf32, #tpu.memory_space<vmem>>) target_semaphore(%arg14 : memref<!tpu.dma_semaphore, #tpu.memory_space<semaphore_mem>>)
        %dma_start3A_1048 = arith.constant 0 : i32
        %dma_start3A_1049 = arith.constant 0 : i32
        %dma_start3A_1050 = arith.constant 0 : i32
        %dma_start3A_1051 = tpu.memref_slice %arg10[%dma_start3A_1048, %dma_start3A_1049, %dma_start3A_1050] : memref<4x32x128xf32, #tpu.memory_space<vmem>> -> memref<1x32x128xf32, #tpu.memory_space<vmem>>
        %dma_start3A_1052 = tpu.memref_squeeze %dma_start3A_1051 : memref<1x32x128xf32, #tpu.memory_space<vmem>> -> memref<32x128xf32, #tpu.memory_space<vmem>>
        %dma_start3A_1053 = arith.constant 0 : i32
        %dma_start3A_1054 = tpu.memref_slice %arg5[%dma_start3A_1053, %multiple_of3A_1034] : memref<32x1000000xf32, #tpu.memory_space<hbm>> -> memref<32x128xf32, #tpu.memory_space<hbm>>
        %dma_start3A_1055 = arith.constant 0 : i32
        %dma_start3A_1056 = arith.constant 0 : i32
        %dma_start3A_1057 = tpu.memref_slice %arg10[%dma_start3A_1048, %dma_start3A_1055, %dma_start3A_1056] : memref<4x32x128xf32, #tpu.memory_space<vmem>> -> memref<1x32x128xf32, #tpu.memory_space<vmem>>
        %dma_start3A_1058 = tpu.memref_squeeze %dma_start3A_1057 : memref<1x32x128xf32, #tpu.memory_space<vmem>> -> memref<32x128xf32, #tpu.memory_space<vmem>>
        %dma_start3A_1059 = arith.constant 0 : i32
        %dma_start3A_1060 = tpu.memref_slice %arg5[%dma_start3A_1059, %multiple_of3A_1034] : memref<32x1000000xf32, #tpu.memory_space<hbm>> -> memref<32x128xf32, #tpu.memory_space<hbm>>
        tpu.enqueue_dma source(%dma_start3A_1060 : memref<32x128xf32, #tpu.memory_space<hbm>>) target(%dma_start3A_1058 : memref<32x128xf32, #tpu.memory_space<vmem>>) target_semaphore(%arg14 : memref<!tpu.dma_semaphore, #tpu.memory_space<semaphore_mem>>)
        %slice3A_1061 = vector.extract_strided_slice %get3A_156 {offsets = [9], sizes = [1], strides = [1]} : vector<16xi32> to vector<1xi32>
        %squeeze3A_1062 = vector.extract %slice3A_1061[0] : i32 from vector<1xi32>
        %slice3A_1063 = vector.extract_strided_slice %get3A_160 {offsets = [9], sizes = [1], strides = [1]} : vector<16xi32> to vector<1xi32>
        %squeeze3A_1064 = vector.extract %slice3A_1063[0] : i32 from vector<1xi32>
        %and3A_1065 = arith.constant -128 : i32
        %and3A_1066 = arith.andi %squeeze3A_1062, %and3A_1065 : i32
        %multiple_of3A_1067 = tpu.assume_multiple %and3A_1066, 128 : i32
        %and3A_1068 = arith.constant -128 : i32
        %and3A_1069 = arith.andi %squeeze3A_1064, %and3A_1068 : i32
        %multiple_of3A_1070 = tpu.assume_multiple %and3A_1069, 128 : i32
        %dma_start3A_1071 = arith.constant 1 : i32
        %dma_start3A_1072 = arith.constant 0 : i32
        %dma_start3A_1073 = arith.constant 0 : i32
        %dma_start3A_1074 = tpu.memref_slice %arg9[%dma_start3A_1071, %dma_start3A_1072, %dma_start3A_1073] : memref<4x32x128xf32, #tpu.memory_space<vmem>> -> memref<1x32x128xf32, #tpu.memory_space<vmem>>
        %dma_start3A_1075 = tpu.memref_squeeze %dma_start3A_1074 : memref<1x32x128xf32, #tpu.memory_space<vmem>> -> memref<32x128xf32, #tpu.memory_space<vmem>>
        %dma_start3A_1076 = arith.constant 0 : i32
        %dma_start3A_1077 = tpu.memref_slice %arg4[%dma_start3A_1076, %multiple_of3A_1067] : memref<32x1000000xf32, #tpu.memory_space<hbm>> -> memref<32x128xf32, #tpu.memory_space<hbm>>
        %dma_start3A_1078 = arith.constant 0 : i32
        %dma_start3A_1079 = arith.constant 0 : i32
        %dma_start3A_1080 = tpu.memref_slice %arg9[%dma_start3A_1071, %dma_start3A_1078, %dma_start3A_1079] : memref<4x32x128xf32, #tpu.memory_space<vmem>> -> memref<1x32x128xf32, #tpu.memory_space<vmem>>
        %dma_start3A_1081 = tpu.memref_squeeze %dma_start3A_1080 : memref<1x32x128xf32, #tpu.memory_space<vmem>> -> memref<32x128xf32, #tpu.memory_space<vmem>>
        %dma_start3A_1082 = arith.constant 0 : i32
        %dma_start3A_1083 = tpu.memref_slice %arg4[%dma_start3A_1082, %multiple_of3A_1067] : memref<32x1000000xf32, #tpu.memory_space<hbm>> -> memref<32x128xf32, #tpu.memory_space<hbm>>
        tpu.enqueue_dma source(%dma_start3A_1083 : memref<32x128xf32, #tpu.memory_space<hbm>>) target(%dma_start3A_1081 : memref<32x128xf32, #tpu.memory_space<vmem>>) target_semaphore(%arg14 : memref<!tpu.dma_semaphore, #tpu.memory_space<semaphore_mem>>)
        %dma_start3A_1084 = arith.constant 1 : i32
        %dma_start3A_1085 = arith.constant 0 : i32
        %dma_start3A_1086 = arith.constant 0 : i32
        %dma_start3A_1087 = tpu.memref_slice %arg10[%dma_start3A_1084, %dma_start3A_1085, %dma_start3A_1086] : memref<4x32x128xf32, #tpu.memory_space<vmem>> -> memref<1x32x128xf32, #tpu.memory_space<vmem>>
        %dma_start3A_1088 = tpu.memref_squeeze %dma_start3A_1087 : memref<1x32x128xf32, #tpu.memory_space<vmem>> -> memref<32x128xf32, #tpu.memory_space<vmem>>
        %dma_start3A_1089 = arith.constant 0 : i32
        %dma_start3A_1090 = tpu.memref_slice %arg5[%dma_start3A_1089, %multiple_of3A_1070] : memref<32x1000000xf32, #tpu.memory_space<hbm>> -> memref<32x128xf32, #tpu.memory_space<hbm>>
        %dma_start3A_1091 = arith.constant 0 : i32
        %dma_start3A_1092 = arith.constant 0 : i32
        %dma_start3A_1093 = tpu.memref_slice %arg10[%dma_start3A_1084, %dma_start3A_1091, %dma_start3A_1092] : memref<4x32x128xf32, #tpu.memory_space<vmem>> -> memref<1x32x128xf32, #tpu.memory_space<vmem>>
        %dma_start3A_1094 = tpu.memref_squeeze %dma_start3A_1093 : memref<1x32x128xf32, #tpu.memory_space<vmem>> -> memref<32x128xf32, #tpu.memory_space<vmem>>
        %dma_start3A_1095 = arith.constant 0 : i32
        %dma_start3A_1096 = tpu.memref_slice %arg5[%dma_start3A_1095, %multiple_of3A_1070] : memref<32x1000000xf32, #tpu.memory_space<hbm>> -> memref<32x128xf32, #tpu.memory_space<hbm>>
        tpu.enqueue_dma source(%dma_start3A_1096 : memref<32x128xf32, #tpu.memory_space<hbm>>) target(%dma_start3A_1094 : memref<32x128xf32, #tpu.memory_space<vmem>>) target_semaphore(%arg14 : memref<!tpu.dma_semaphore, #tpu.memory_space<semaphore_mem>>)
        %slice3A_1097 = vector.extract_strided_slice %get3A_156 {offsets = [10], sizes = [1], strides = [1]} : vector<16xi32> to vector<1xi32>
        %squeeze3A_1098 = vector.extract %slice3A_1097[0] : i32 from vector<1xi32>
        %slice3A_1099 = vector.extract_strided_slice %get3A_160 {offsets = [10], sizes = [1], strides = [1]} : vector<16xi32> to vector<1xi32>
        %squeeze3A_1100 = vector.extract %slice3A_1099[0] : i32 from vector<1xi32>
        %and3A_1101 = arith.constant -128 : i32
        %and3A_1102 = arith.andi %squeeze3A_1098, %and3A_1101 : i32
        %multiple_of3A_1103 = tpu.assume_multiple %and3A_1102, 128 : i32
        %and3A_1104 = arith.constant -128 : i32
        %and3A_1105 = arith.andi %squeeze3A_1100, %and3A_1104 : i32
        %multiple_of3A_1106 = tpu.assume_multiple %and3A_1105, 128 : i32
        %dma_start3A_1107 = arith.constant 2 : i32
        %dma_start3A_1108 = arith.constant 0 : i32
        %dma_start3A_1109 = arith.constant 0 : i32
        %dma_start3A_1110 = tpu.memref_slice %arg9[%dma_start3A_1107, %dma_start3A_1108, %dma_start3A_1109] : memref<4x32x128xf32, #tpu.memory_space<vmem>> -> memref<1x32x128xf32, #tpu.memory_space<vmem>>
        %dma_start3A_1111 = tpu.memref_squeeze %dma_start3A_1110 : memref<1x32x128xf32, #tpu.memory_space<vmem>> -> memref<32x128xf32, #tpu.memory_space<vmem>>
        %dma_start3A_1112 = arith.constant 0 : i32
        %dma_start3A_1113 = tpu.memref_slice %arg4[%dma_start3A_1112, %multiple_of3A_1103] : memref<32x1000000xf32, #tpu.memory_space<hbm>> -> memref<32x128xf32, #tpu.memory_space<hbm>>
        %dma_start3A_1114 = arith.constant 0 : i32
        %dma_start3A_1115 = arith.constant 0 : i32
        %dma_start3A_1116 = tpu.memref_slice %arg9[%dma_start3A_1107, %dma_start3A_1114, %dma_start3A_1115] : memref<4x32x128xf32, #tpu.memory_space<vmem>> -> memref<1x32x128xf32, #tpu.memory_space<vmem>>
        %dma_start3A_1117 = tpu.memref_squeeze %dma_start3A_1116 : memref<1x32x128xf32, #tpu.memory_space<vmem>> -> memref<32x128xf32, #tpu.memory_space<vmem>>
        %dma_start3A_1118 = arith.constant 0 : i32
        %dma_start3A_1119 = tpu.memref_slice %arg4[%dma_start3A_1118, %multiple_of3A_1103] : memref<32x1000000xf32, #tpu.memory_space<hbm>> -> memref<32x128xf32, #tpu.memory_space<hbm>>
        tpu.enqueue_dma source(%dma_start3A_1119 : memref<32x128xf32, #tpu.memory_space<hbm>>) target(%dma_start3A_1117 : memref<32x128xf32, #tpu.memory_space<vmem>>) target_semaphore(%arg14 : memref<!tpu.dma_semaphore, #tpu.memory_space<semaphore_mem>>)
        %dma_start3A_1120 = arith.constant 2 : i32
        %dma_start3A_1121 = arith.constant 0 : i32
        %dma_start3A_1122 = arith.constant 0 : i32
        %dma_start3A_1123 = tpu.memref_slice %arg10[%dma_start3A_1120, %dma_start3A_1121, %dma_start3A_1122] : memref<4x32x128xf32, #tpu.memory_space<vmem>> -> memref<1x32x128xf32, #tpu.memory_space<vmem>>
        %dma_start3A_1124 = tpu.memref_squeeze %dma_start3A_1123 : memref<1x32x128xf32, #tpu.memory_space<vmem>> -> memref<32x128xf32, #tpu.memory_space<vmem>>
        %dma_start3A_1125 = arith.constant 0 : i32
        %dma_start3A_1126 = tpu.memref_slice %arg5[%dma_start3A_1125, %multiple_of3A_1106] : memref<32x1000000xf32, #tpu.memory_space<hbm>> -> memref<32x128xf32, #tpu.memory_space<hbm>>
        %dma_start3A_1127 = arith.constant 0 : i32
        %dma_start3A_1128 = arith.constant 0 : i32
        %dma_start3A_1129 = tpu.memref_slice %arg10[%dma_start3A_1120, %dma_start3A_1127, %dma_start3A_1128] : memref<4x32x128xf32, #tpu.memory_space<vmem>> -> memref<1x32x128xf32, #tpu.memory_space<vmem>>
        %dma_start3A_1130 = tpu.memref_squeeze %dma_start3A_1129 : memref<1x32x128xf32, #tpu.memory_space<vmem>> -> memref<32x128xf32, #tpu.memory_space<vmem>>
        %dma_start3A_1131 = arith.constant 0 : i32
        %dma_start3A_1132 = tpu.memref_slice %arg5[%dma_start3A_1131, %multiple_of3A_1106] : memref<32x1000000xf32, #tpu.memory_space<hbm>> -> memref<32x128xf32, #tpu.memory_space<hbm>>
        tpu.enqueue_dma source(%dma_start3A_1132 : memref<32x128xf32, #tpu.memory_space<hbm>>) target(%dma_start3A_1130 : memref<32x128xf32, #tpu.memory_space<vmem>>) target_semaphore(%arg14 : memref<!tpu.dma_semaphore, #tpu.memory_space<semaphore_mem>>)
        %slice3A_1133 = vector.extract_strided_slice %get3A_156 {offsets = [11], sizes = [1], strides = [1]} : vector<16xi32> to vector<1xi32>
        %squeeze3A_1134 = vector.extract %slice3A_1133[0] : i32 from vector<1xi32>
        %slice3A_1135 = vector.extract_strided_slice %get3A_160 {offsets = [11], sizes = [1], strides = [1]} : vector<16xi32> to vector<1xi32>
        %squeeze3A_1136 = vector.extract %slice3A_1135[0] : i32 from vector<1xi32>
        %and3A_1137 = arith.constant -128 : i32
        %and3A_1138 = arith.andi %squeeze3A_1134, %and3A_1137 : i32
        %multiple_of3A_1139 = tpu.assume_multiple %and3A_1138, 128 : i32
        %and3A_1140 = arith.constant -128 : i32
        %and3A_1141 = arith.andi %squeeze3A_1136, %and3A_1140 : i32
        %multiple_of3A_1142 = tpu.assume_multiple %and3A_1141, 128 : i32
        %dma_start3A_1143 = arith.constant 3 : i32
        %dma_start3A_1144 = arith.constant 0 : i32
        %dma_start3A_1145 = arith.constant 0 : i32
        %dma_start3A_1146 = tpu.memref_slice %arg9[%dma_start3A_1143, %dma_start3A_1144, %dma_start3A_1145] : memref<4x32x128xf32, #tpu.memory_space<vmem>> -> memref<1x32x128xf32, #tpu.memory_space<vmem>>
        %dma_start3A_1147 = tpu.memref_squeeze %dma_start3A_1146 : memref<1x32x128xf32, #tpu.memory_space<vmem>> -> memref<32x128xf32, #tpu.memory_space<vmem>>
        %dma_start3A_1148 = arith.constant 0 : i32
        %dma_start3A_1149 = tpu.memref_slice %arg4[%dma_start3A_1148, %multiple_of3A_1139] : memref<32x1000000xf32, #tpu.memory_space<hbm>> -> memref<32x128xf32, #tpu.memory_space<hbm>>
        %dma_start3A_1150 = arith.constant 0 : i32
        %dma_start3A_1151 = arith.constant 0 : i32
        %dma_start3A_1152 = tpu.memref_slice %arg9[%dma_start3A_1143, %dma_start3A_1150, %dma_start3A_1151] : memref<4x32x128xf32, #tpu.memory_space<vmem>> -> memref<1x32x128xf32, #tpu.memory_space<vmem>>
        %dma_start3A_1153 = tpu.memref_squeeze %dma_start3A_1152 : memref<1x32x128xf32, #tpu.memory_space<vmem>> -> memref<32x128xf32, #tpu.memory_space<vmem>>
        %dma_start3A_1154 = arith.constant 0 : i32
        %dma_start3A_1155 = tpu.memref_slice %arg4[%dma_start3A_1154, %multiple_of3A_1139] : memref<32x1000000xf32, #tpu.memory_space<hbm>> -> memref<32x128xf32, #tpu.memory_space<hbm>>
        tpu.enqueue_dma source(%dma_start3A_1155 : memref<32x128xf32, #tpu.memory_space<hbm>>) target(%dma_start3A_1153 : memref<32x128xf32, #tpu.memory_space<vmem>>) target_semaphore(%arg14 : memref<!tpu.dma_semaphore, #tpu.memory_space<semaphore_mem>>)
        %dma_start3A_1156 = arith.constant 3 : i32
        %dma_start3A_1157 = arith.constant 0 : i32
        %dma_start3A_1158 = arith.constant 0 : i32
        %dma_start3A_1159 = tpu.memref_slice %arg10[%dma_start3A_1156, %dma_start3A_1157, %dma_start3A_1158] : memref<4x32x128xf32, #tpu.memory_space<vmem>> -> memref<1x32x128xf32, #tpu.memory_space<vmem>>
        %dma_start3A_1160 = tpu.memref_squeeze %dma_start3A_1159 : memref<1x32x128xf32, #tpu.memory_space<vmem>> -> memref<32x128xf32, #tpu.memory_space<vmem>>
        %dma_start3A_1161 = arith.constant 0 : i32
        %dma_start3A_1162 = tpu.memref_slice %arg5[%dma_start3A_1161, %multiple_of3A_1142] : memref<32x1000000xf32, #tpu.memory_space<hbm>> -> memref<32x128xf32, #tpu.memory_space<hbm>>
        %dma_start3A_1163 = arith.constant 0 : i32
        %dma_start3A_1164 = arith.constant 0 : i32
        %dma_start3A_1165 = tpu.memref_slice %arg10[%dma_start3A_1156, %dma_start3A_1163, %dma_start3A_1164] : memref<4x32x128xf32, #tpu.memory_space<vmem>> -> memref<1x32x128xf32, #tpu.memory_space<vmem>>
        %dma_start3A_1166 = tpu.memref_squeeze %dma_start3A_1165 : memref<1x32x128xf32, #tpu.memory_space<vmem>> -> memref<32x128xf32, #tpu.memory_space<vmem>>
        %dma_start3A_1167 = arith.constant 0 : i32
        %dma_start3A_1168 = tpu.memref_slice %arg5[%dma_start3A_1167, %multiple_of3A_1142] : memref<32x1000000xf32, #tpu.memory_space<hbm>> -> memref<32x128xf32, #tpu.memory_space<hbm>>
        tpu.enqueue_dma source(%dma_start3A_1168 : memref<32x128xf32, #tpu.memory_space<hbm>>) target(%dma_start3A_1166 : memref<32x128xf32, #tpu.memory_space<vmem>>) target_semaphore(%arg14 : memref<!tpu.dma_semaphore, #tpu.memory_space<semaphore_mem>>)
      } else {
      }
      %dma_wait3A_649 = arith.constant 0 : i32
      %dma_wait3A_650 = arith.constant 0 : i32
      %dma_wait3A_651 = arith.constant 0 : i32
      %dma_wait3A_652 = tpu.memref_slice %arg11[%dma_wait3A_649, %dma_wait3A_650, %dma_wait3A_651] : memref<4x32x128xf32, #tpu.memory_space<vmem>> -> memref<1x32x128xf32, #tpu.memory_space<vmem>>
      %dma_wait3A_653 = tpu.memref_squeeze %dma_wait3A_652 : memref<1x32x128xf32, #tpu.memory_space<vmem>> -> memref<32x128xf32, #tpu.memory_space<vmem>>
      %dma_wait3A_654 = arith.constant 0 : i32
      %dma_wait3A_655 = arith.constant 0 : i32
      %dma_wait3A_656 = tpu.memref_slice %arg4[%dma_wait3A_654, %dma_wait3A_655] : memref<32x1000000xf32, #tpu.memory_space<hbm>> -> memref<32x128xf32, #tpu.memory_space<hbm>>
      %dma_wait3A_657 = arith.constant 0 : i32
      %dma_wait3A_658 = arith.constant 0 : i32
      %dma_wait3A_659 = tpu.memref_slice %arg11[%dma_wait3A_649, %dma_wait3A_657, %dma_wait3A_658] : memref<4x32x128xf32, #tpu.memory_space<vmem>> -> memref<1x32x128xf32, #tpu.memory_space<vmem>>
      %dma_wait3A_660 = tpu.memref_squeeze %dma_wait3A_659 : memref<1x32x128xf32, #tpu.memory_space<vmem>> -> memref<32x128xf32, #tpu.memory_space<vmem>>
      %dma_wait3A_661 = arith.constant 0 : i32
      %dma_wait3A_662 = arith.constant 0 : i32
      %dma_wait3A_663 = tpu.memref_slice %arg4[%dma_wait3A_661, %dma_wait3A_662] : memref<32x1000000xf32, #tpu.memory_space<hbm>> -> memref<32x128xf32, #tpu.memory_space<hbm>>
      tpu.wait_dma2 semaphore(%arg15 : memref<!tpu.dma_semaphore, #tpu.memory_space<semaphore_mem>>) src(%dma_wait3A_663 : memref<32x128xf32, #tpu.memory_space<hbm>>) dst(%dma_wait3A_660 : memref<32x128xf32, #tpu.memory_space<vmem>>)
      %dma_wait3A_664 = arith.constant 0 : i32
      %dma_wait3A_665 = arith.constant 0 : i32
      %dma_wait3A_666 = arith.constant 0 : i32
      %dma_wait3A_667 = tpu.memref_slice %arg12[%dma_wait3A_664, %dma_wait3A_665, %dma_wait3A_666] : memref<4x32x128xf32, #tpu.memory_space<vmem>> -> memref<1x32x128xf32, #tpu.memory_space<vmem>>
      %dma_wait3A_668 = tpu.memref_squeeze %dma_wait3A_667 : memref<1x32x128xf32, #tpu.memory_space<vmem>> -> memref<32x128xf32, #tpu.memory_space<vmem>>
      %dma_wait3A_669 = arith.constant 0 : i32
      %dma_wait3A_670 = arith.constant 0 : i32
      %dma_wait3A_671 = tpu.memref_slice %arg4[%dma_wait3A_669, %dma_wait3A_670] : memref<32x1000000xf32, #tpu.memory_space<hbm>> -> memref<32x128xf32, #tpu.memory_space<hbm>>
      %dma_wait3A_672 = arith.constant 0 : i32
      %dma_wait3A_673 = arith.constant 0 : i32
      %dma_wait3A_674 = tpu.memref_slice %arg12[%dma_wait3A_664, %dma_wait3A_672, %dma_wait3A_673] : memref<4x32x128xf32, #tpu.memory_space<vmem>> -> memref<1x32x128xf32, #tpu.memory_space<vmem>>
      %dma_wait3A_675 = tpu.memref_squeeze %dma_wait3A_674 : memref<1x32x128xf32, #tpu.memory_space<vmem>> -> memref<32x128xf32, #tpu.memory_space<vmem>>
      %dma_wait3A_676 = arith.constant 0 : i32
      %dma_wait3A_677 = arith.constant 0 : i32
      %dma_wait3A_678 = tpu.memref_slice %arg4[%dma_wait3A_676, %dma_wait3A_677] : memref<32x1000000xf32, #tpu.memory_space<hbm>> -> memref<32x128xf32, #tpu.memory_space<hbm>>
      tpu.wait_dma2 semaphore(%arg15 : memref<!tpu.dma_semaphore, #tpu.memory_space<semaphore_mem>>) src(%dma_wait3A_678 : memref<32x128xf32, #tpu.memory_space<hbm>>) dst(%dma_wait3A_675 : memref<32x128xf32, #tpu.memory_space<vmem>>)
      %dma_wait3A_679 = arith.constant 1 : i32
      %dma_wait3A_680 = arith.constant 0 : i32
      %dma_wait3A_681 = arith.constant 0 : i32
      %dma_wait3A_682 = tpu.memref_slice %arg11[%dma_wait3A_679, %dma_wait3A_680, %dma_wait3A_681] : memref<4x32x128xf32, #tpu.memory_space<vmem>> -> memref<1x32x128xf32, #tpu.memory_space<vmem>>
      %dma_wait3A_683 = tpu.memref_squeeze %dma_wait3A_682 : memref<1x32x128xf32, #tpu.memory_space<vmem>> -> memref<32x128xf32, #tpu.memory_space<vmem>>
      %dma_wait3A_684 = arith.constant 0 : i32
      %dma_wait3A_685 = arith.constant 0 : i32
      %dma_wait3A_686 = tpu.memref_slice %arg4[%dma_wait3A_684, %dma_wait3A_685] : memref<32x1000000xf32, #tpu.memory_space<hbm>> -> memref<32x128xf32, #tpu.memory_space<hbm>>
      %dma_wait3A_687 = arith.constant 0 : i32
      %dma_wait3A_688 = arith.constant 0 : i32
      %dma_wait3A_689 = tpu.memref_slice %arg11[%dma_wait3A_679, %dma_wait3A_687, %dma_wait3A_688] : memref<4x32x128xf32, #tpu.memory_space<vmem>> -> memref<1x32x128xf32, #tpu.memory_space<vmem>>
      %dma_wait3A_690 = tpu.memref_squeeze %dma_wait3A_689 : memref<1x32x128xf32, #tpu.memory_space<vmem>> -> memref<32x128xf32, #tpu.memory_space<vmem>>
      %dma_wait3A_691 = arith.constant 0 : i32
      %dma_wait3A_692 = arith.constant 0 : i32
      %dma_wait3A_693 = tpu.memref_slice %arg4[%dma_wait3A_691, %dma_wait3A_692] : memref<32x1000000xf32, #tpu.memory_space<hbm>> -> memref<32x128xf32, #tpu.memory_space<hbm>>
      tpu.wait_dma2 semaphore(%arg15 : memref<!tpu.dma_semaphore, #tpu.memory_space<semaphore_mem>>) src(%dma_wait3A_693 : memref<32x128xf32, #tpu.memory_space<hbm>>) dst(%dma_wait3A_690 : memref<32x128xf32, #tpu.memory_space<vmem>>)
      %dma_wait3A_694 = arith.constant 1 : i32
      %dma_wait3A_695 = arith.constant 0 : i32
      %dma_wait3A_696 = arith.constant 0 : i32
      %dma_wait3A_697 = tpu.memref_slice %arg12[%dma_wait3A_694, %dma_wait3A_695, %dma_wait3A_696] : memref<4x32x128xf32, #tpu.memory_space<vmem>> -> memref<1x32x128xf32, #tpu.memory_space<vmem>>
      %dma_wait3A_698 = tpu.memref_squeeze %dma_wait3A_697 : memref<1x32x128xf32, #tpu.memory_space<vmem>> -> memref<32x128xf32, #tpu.memory_space<vmem>>
      %dma_wait3A_699 = arith.constant 0 : i32
      %dma_wait3A_700 = arith.constant 0 : i32
      %dma_wait3A_701 = tpu.memref_slice %arg4[%dma_wait3A_699, %dma_wait3A_700] : memref<32x1000000xf32, #tpu.memory_space<hbm>> -> memref<32x128xf32, #tpu.memory_space<hbm>>
      %dma_wait3A_702 = arith.constant 0 : i32
      %dma_wait3A_703 = arith.constant 0 : i32
      %dma_wait3A_704 = tpu.memref_slice %arg12[%dma_wait3A_694, %dma_wait3A_702, %dma_wait3A_703] : memref<4x32x128xf32, #tpu.memory_space<vmem>> -> memref<1x32x128xf32, #tpu.memory_space<vmem>>
      %dma_wait3A_705 = tpu.memref_squeeze %dma_wait3A_704 : memref<1x32x128xf32, #tpu.memory_space<vmem>> -> memref<32x128xf32, #tpu.memory_space<vmem>>
      %dma_wait3A_706 = arith.constant 0 : i32
      %dma_wait3A_707 = arith.constant 0 : i32
      %dma_wait3A_708 = tpu.memref_slice %arg4[%dma_wait3A_706, %dma_wait3A_707] : memref<32x1000000xf32, #tpu.memory_space<hbm>> -> memref<32x128xf32, #tpu.memory_space<hbm>>
      tpu.wait_dma2 semaphore(%arg15 : memref<!tpu.dma_semaphore, #tpu.memory_space<semaphore_mem>>) src(%dma_wait3A_708 : memref<32x128xf32, #tpu.memory_space<hbm>>) dst(%dma_wait3A_705 : memref<32x128xf32, #tpu.memory_space<vmem>>)
      %dma_wait3A_709 = arith.constant 2 : i32
      %dma_wait3A_710 = arith.constant 0 : i32
      %dma_wait3A_711 = arith.constant 0 : i32
      %dma_wait3A_712 = tpu.memref_slice %arg11[%dma_wait3A_709, %dma_wait3A_710, %dma_wait3A_711] : memref<4x32x128xf32, #tpu.memory_space<vmem>> -> memref<1x32x128xf32, #tpu.memory_space<vmem>>
      %dma_wait3A_713 = tpu.memref_squeeze %dma_wait3A_712 : memref<1x32x128xf32, #tpu.memory_space<vmem>> -> memref<32x128xf32, #tpu.memory_space<vmem>>
      %dma_wait3A_714 = arith.constant 0 : i32
      %dma_wait3A_715 = arith.constant 0 : i32
      %dma_wait3A_716 = tpu.memref_slice %arg4[%dma_wait3A_714, %dma_wait3A_715] : memref<32x1000000xf32, #tpu.memory_space<hbm>> -> memref<32x128xf32, #tpu.memory_space<hbm>>
      %dma_wait3A_717 = arith.constant 0 : i32
      %dma_wait3A_718 = arith.constant 0 : i32
      %dma_wait3A_719 = tpu.memref_slice %arg11[%dma_wait3A_709, %dma_wait3A_717, %dma_wait3A_718] : memref<4x32x128xf32, #tpu.memory_space<vmem>> -> memref<1x32x128xf32, #tpu.memory_space<vmem>>
      %dma_wait3A_720 = tpu.memref_squeeze %dma_wait3A_719 : memref<1x32x128xf32, #tpu.memory_space<vmem>> -> memref<32x128xf32, #tpu.memory_space<vmem>>
      %dma_wait3A_721 = arith.constant 0 : i32
      %dma_wait3A_722 = arith.constant 0 : i32
      %dma_wait3A_723 = tpu.memref_slice %arg4[%dma_wait3A_721, %dma_wait3A_722] : memref<32x1000000xf32, #tpu.memory_space<hbm>> -> memref<32x128xf32, #tpu.memory_space<hbm>>
      tpu.wait_dma2 semaphore(%arg15 : memref<!tpu.dma_semaphore, #tpu.memory_space<semaphore_mem>>) src(%dma_wait3A_723 : memref<32x128xf32, #tpu.memory_space<hbm>>) dst(%dma_wait3A_720 : memref<32x128xf32, #tpu.memory_space<vmem>>)
      %dma_wait3A_724 = arith.constant 2 : i32
      %dma_wait3A_725 = arith.constant 0 : i32
      %dma_wait3A_726 = arith.constant 0 : i32
      %dma_wait3A_727 = tpu.memref_slice %arg12[%dma_wait3A_724, %dma_wait3A_725, %dma_wait3A_726] : memref<4x32x128xf32, #tpu.memory_space<vmem>> -> memref<1x32x128xf32, #tpu.memory_space<vmem>>
      %dma_wait3A_728 = tpu.memref_squeeze %dma_wait3A_727 : memref<1x32x128xf32, #tpu.memory_space<vmem>> -> memref<32x128xf32, #tpu.memory_space<vmem>>
      %dma_wait3A_729 = arith.constant 0 : i32
      %dma_wait3A_730 = arith.constant 0 : i32
      %dma_wait3A_731 = tpu.memref_slice %arg4[%dma_wait3A_729, %dma_wait3A_730] : memref<32x1000000xf32, #tpu.memory_space<hbm>> -> memref<32x128xf32, #tpu.memory_space<hbm>>
      %dma_wait3A_732 = arith.constant 0 : i32
      %dma_wait3A_733 = arith.constant 0 : i32
      %dma_wait3A_734 = tpu.memref_slice %arg12[%dma_wait3A_724, %dma_wait3A_732, %dma_wait3A_733] : memref<4x32x128xf32, #tpu.memory_space<vmem>> -> memref<1x32x128xf32, #tpu.memory_space<vmem>>
      %dma_wait3A_735 = tpu.memref_squeeze %dma_wait3A_734 : memref<1x32x128xf32, #tpu.memory_space<vmem>> -> memref<32x128xf32, #tpu.memory_space<vmem>>
      %dma_wait3A_736 = arith.constant 0 : i32
      %dma_wait3A_737 = arith.constant 0 : i32
      %dma_wait3A_738 = tpu.memref_slice %arg4[%dma_wait3A_736, %dma_wait3A_737] : memref<32x1000000xf32, #tpu.memory_space<hbm>> -> memref<32x128xf32, #tpu.memory_space<hbm>>
      tpu.wait_dma2 semaphore(%arg15 : memref<!tpu.dma_semaphore, #tpu.memory_space<semaphore_mem>>) src(%dma_wait3A_738 : memref<32x128xf32, #tpu.memory_space<hbm>>) dst(%dma_wait3A_735 : memref<32x128xf32, #tpu.memory_space<vmem>>)
      %dma_wait3A_739 = arith.constant 3 : i32
      %dma_wait3A_740 = arith.constant 0 : i32
      %dma_wait3A_741 = arith.constant 0 : i32
      %dma_wait3A_742 = tpu.memref_slice %arg11[%dma_wait3A_739, %dma_wait3A_740, %dma_wait3A_741] : memref<4x32x128xf32, #tpu.memory_space<vmem>> -> memref<1x32x128xf32, #tpu.memory_space<vmem>>
      %dma_wait3A_743 = tpu.memref_squeeze %dma_wait3A_742 : memref<1x32x128xf32, #tpu.memory_space<vmem>> -> memref<32x128xf32, #tpu.memory_space<vmem>>
      %dma_wait3A_744 = arith.constant 0 : i32
      %dma_wait3A_745 = arith.constant 0 : i32
      %dma_wait3A_746 = tpu.memref_slice %arg4[%dma_wait3A_744, %dma_wait3A_745] : memref<32x1000000xf32, #tpu.memory_space<hbm>> -> memref<32x128xf32, #tpu.memory_space<hbm>>
      %dma_wait3A_747 = arith.constant 0 : i32
      %dma_wait3A_748 = arith.constant 0 : i32
      %dma_wait3A_749 = tpu.memref_slice %arg11[%dma_wait3A_739, %dma_wait3A_747, %dma_wait3A_748] : memref<4x32x128xf32, #tpu.memory_space<vmem>> -> memref<1x32x128xf32, #tpu.memory_space<vmem>>
      %dma_wait3A_750 = tpu.memref_squeeze %dma_wait3A_749 : memref<1x32x128xf32, #tpu.memory_space<vmem>> -> memref<32x128xf32, #tpu.memory_space<vmem>>
      %dma_wait3A_751 = arith.constant 0 : i32
      %dma_wait3A_752 = arith.constant 0 : i32
      %dma_wait3A_753 = tpu.memref_slice %arg4[%dma_wait3A_751, %dma_wait3A_752] : memref<32x1000000xf32, #tpu.memory_space<hbm>> -> memref<32x128xf32, #tpu.memory_space<hbm>>
      tpu.wait_dma2 semaphore(%arg15 : memref<!tpu.dma_semaphore, #tpu.memory_space<semaphore_mem>>) src(%dma_wait3A_753 : memref<32x128xf32, #tpu.memory_space<hbm>>) dst(%dma_wait3A_750 : memref<32x128xf32, #tpu.memory_space<vmem>>)
      %dma_wait3A_754 = arith.constant 3 : i32
      %dma_wait3A_755 = arith.constant 0 : i32
      %dma_wait3A_756 = arith.constant 0 : i32
      %dma_wait3A_757 = tpu.memref_slice %arg12[%dma_wait3A_754, %dma_wait3A_755, %dma_wait3A_756] : memref<4x32x128xf32, #tpu.memory_space<vmem>> -> memref<1x32x128xf32, #tpu.memory_space<vmem>>
      %dma_wait3A_758 = tpu.memref_squeeze %dma_wait3A_757 : memref<1x32x128xf32, #tpu.memory_space<vmem>> -> memref<32x128xf32, #tpu.memory_space<vmem>>
      %dma_wait3A_759 = arith.constant 0 : i32
      %dma_wait3A_760 = arith.constant 0 : i32
      %dma_wait3A_761 = tpu.memref_slice %arg4[%dma_wait3A_759, %dma_wait3A_760] : memref<32x1000000xf32, #tpu.memory_space<hbm>> -> memref<32x128xf32, #tpu.memory_space<hbm>>
      %dma_wait3A_762 = arith.constant 0 : i32
      %dma_wait3A_763 = arith.constant 0 : i32
      %dma_wait3A_764 = tpu.memref_slice %arg12[%dma_wait3A_754, %dma_wait3A_762, %dma_wait3A_763] : memref<4x32x128xf32, #tpu.memory_space<vmem>> -> memref<1x32x128xf32, #tpu.memory_space<vmem>>
      %dma_wait3A_765 = tpu.memref_squeeze %dma_wait3A_764 : memref<1x32x128xf32, #tpu.memory_space<vmem>> -> memref<32x128xf32, #tpu.memory_space<vmem>>
      %dma_wait3A_766 = arith.constant 0 : i32
      %dma_wait3A_767 = arith.constant 0 : i32
      %dma_wait3A_768 = tpu.memref_slice %arg4[%dma_wait3A_766, %dma_wait3A_767] : memref<32x1000000xf32, #tpu.memory_space<hbm>> -> memref<32x128xf32, #tpu.memory_space<hbm>>
      tpu.wait_dma2 semaphore(%arg15 : memref<!tpu.dma_semaphore, #tpu.memory_space<semaphore_mem>>) src(%dma_wait3A_768 : memref<32x128xf32, #tpu.memory_space<hbm>>) dst(%dma_wait3A_765 : memref<32x128xf32, #tpu.memory_space<vmem>>)
      %add3A_769 = arith.constant 4 : i32
      %add3A_770 = arith.addi %mul3A_172, %add3A_769 : i32
      %slice3A_771 = vector.extract_strided_slice %get3A_156 {offsets = [4], sizes = [1], strides = [1]} : vector<16xi32> to vector<1xi32>
      %squeeze3A_772 = vector.extract %slice3A_771[0] : i32 from vector<1xi32>
      %and3A_773 = arith.constant 127 : i32
      %and3A_774 = arith.andi %squeeze3A_772, %and3A_773 : i32
      %broadcast_in_dim3A_775 = vector.broadcast %and3A_774 : i32 to vector<16xi32>
      %slice3A_776 = vector.extract_strided_slice %get3A_160 {offsets = [4], sizes = [1], strides = [1]} : vector<16xi32> to vector<1xi32>
      %squeeze3A_777 = vector.extract %slice3A_776[0] : i32 from vector<1xi32>
      %and3A_778 = arith.constant 127 : i32
      %and3A_779 = arith.andi %squeeze3A_777, %and3A_778 : i32
      %broadcast_in_dim3A_780 = vector.broadcast %and3A_779 : i32 to vector<16xi32>
      %gather3A_781 = arith.constant 0 : i32
      %gather3A_782 = arith.constant 0 : i32
      %gather3A_783 = arith.constant 0 : i32
      %gather3A_784 = tpu.memref_slice %arg11[%gather3A_781, %gather3A_782, %gather3A_783] : memref<4x32x128xf32, #tpu.memory_space<vmem>> -> memref<1x32x128xf32, #tpu.memory_space<vmem>>
      %gather3A_785 = tpu.memref_squeeze %gather3A_784 : memref<1x32x128xf32, #tpu.memory_space<vmem>> -> memref<32x128xf32, #tpu.memory_space<vmem>>
      %gather3A_786 = tpu.vector_load_idx %gather3A_785[%iota3A, %broadcast_in_dim3A_775] : memref<32x128xf32, #tpu.memory_space<vmem>>[vector<16xi32>, vector<16xi32>], vector<16xf32>,
      %add3A_787 = arith.constant 16 : i32
      %add3A_788 = vector.broadcast %add3A_787 : i32 to vector<16xi32>
      %add3A_789 = arith.addi %iota3A, %add3A_788 : vector<16xi32>
      %gather3A_790 = arith.constant 0 : i32
      %gather3A_791 = arith.constant 0 : i32
      %gather3A_792 = arith.constant 0 : i32
      %gather3A_793 = tpu.memref_slice %arg11[%gather3A_790, %gather3A_791, %gather3A_792] : memref<4x32x128xf32, #tpu.memory_space<vmem>> -> memref<1x32x128xf32, #tpu.memory_space<vmem>>
      %gather3A_794 = tpu.memref_squeeze %gather3A_793 : memref<1x32x128xf32, #tpu.memory_space<vmem>> -> memref<32x128xf32, #tpu.memory_space<vmem>>
      %gather3A_795 = tpu.vector_load_idx %gather3A_794[%add3A_789, %broadcast_in_dim3A_775] : memref<32x128xf32, #tpu.memory_space<vmem>>[vector<16xi32>, vector<16xi32>], vector<16xf32>,
      %gather3A_796 = arith.constant 0 : i32
      %gather3A_797 = arith.constant 0 : i32
      %gather3A_798 = arith.constant 0 : i32
      %gather3A_799 = tpu.memref_slice %arg12[%gather3A_796, %gather3A_797, %gather3A_798] : memref<4x32x128xf32, #tpu.memory_space<vmem>> -> memref<1x32x128xf32, #tpu.memory_space<vmem>>
      %gather3A_800 = tpu.memref_squeeze %gather3A_799 : memref<1x32x128xf32, #tpu.memory_space<vmem>> -> memref<32x128xf32, #tpu.memory_space<vmem>>
      %gather3A_801 = tpu.vector_load_idx %gather3A_800[%iota3A, %broadcast_in_dim3A_780] : memref<32x128xf32, #tpu.memory_space<vmem>>[vector<16xi32>, vector<16xi32>], vector<16xf32>,
      %add3A_802 = arith.constant 16 : i32
      %add3A_803 = vector.broadcast %add3A_802 : i32 to vector<16xi32>
      %add3A_804 = arith.addi %iota3A, %add3A_803 : vector<16xi32>
      %gather3A_805 = arith.constant 0 : i32
      %gather3A_806 = arith.constant 0 : i32
      %gather3A_807 = arith.constant 0 : i32
      %gather3A_808 = tpu.memref_slice %arg12[%gather3A_805, %gather3A_806, %gather3A_807] : memref<4x32x128xf32, #tpu.memory_space<vmem>> -> memref<1x32x128xf32, #tpu.memory_space<vmem>>
      %gather3A_809 = tpu.memref_squeeze %gather3A_808 : memref<1x32x128xf32, #tpu.memory_space<vmem>> -> memref<32x128xf32, #tpu.memory_space<vmem>>
      %gather3A_810 = tpu.vector_load_idx %gather3A_809[%add3A_804, %broadcast_in_dim3A_780] : memref<32x128xf32, #tpu.memory_space<vmem>>[vector<16xi32>, vector<16xi32>], vector<16xf32>,
      %mul3A_811 = arith.mulf %gather3A_786, %gather3A_801 : vector<16xf32>
      %mul3A_812 = arith.mulf %gather3A_795, %gather3A_810 : vector<16xf32>
      %add3A_813 = arith.addf %mul3A_811, %mul3A_812 : vector<16xf32>
      %add3A_814 = arith.constant 0 : i32
      %add3A_815 = arith.addi %add3A_770, %add3A_814 : i32
      %eq3A_816 = vector.broadcast %add3A_815 : i32 to vector<16xi32>
      %eq3A_817 = arith.cmpi eq, %iota3A, %eq3A_816 : vector<16xi32>
      %reduce_sum3A_818 = arith.constant true
      %reduce_sum3A_819 = vector.broadcast %reduce_sum3A_818 : i1 to vector<16xi1>
      %reduce_sum3A_820 = tpu.scan <sum>, %add3A_813 masked %reduce_sum3A_819 : vector<16xf32>, vector<16xi1> -> vector<16xf32>
      %reduce_sum3A_821 = vector.extract %reduce_sum3A_820[15] : f32 from vector<16xf32>
      %broadcast_in_dim3A_822 = vector.broadcast %reduce_sum3A_821 : f32 to vector<16xf32>
      %select_n3A_823 = arith.select %eq3A_817, %broadcast_in_dim3A_822, %select_n3A_645 : vector<16xi1>, vector<16xf32>
      %slice3A_824 = vector.extract_strided_slice %get3A_156 {offsets = [5], sizes = [1], strides = [1]} : vector<16xi32> to vector<1xi32>
      %squeeze3A_825 = vector.extract %slice3A_824[0] : i32 from vector<1xi32>
      %and3A_826 = arith.constant 127 : i32
      %and3A_827 = arith.andi %squeeze3A_825, %and3A_826 : i32
      %broadcast_in_dim3A_828 = vector.broadcast %and3A_827 : i32 to vector<16xi32>
      %slice3A_829 = vector.extract_strided_slice %get3A_160 {offsets = [5], sizes = [1], strides = [1]} : vector<16xi32> to vector<1xi32>
      %squeeze3A_830 = vector.extract %slice3A_829[0] : i32 from vector<1xi32>
      %and3A_831 = arith.constant 127 : i32
      %and3A_832 = arith.andi %squeeze3A_830, %and3A_831 : i32
      %broadcast_in_dim3A_833 = vector.broadcast %and3A_832 : i32 to vector<16xi32>
      %gather3A_834 = arith.constant 1 : i32
      %gather3A_835 = arith.constant 0 : i32
      %gather3A_836 = arith.constant 0 : i32
      %gather3A_837 = tpu.memref_slice %arg11[%gather3A_834, %gather3A_835, %gather3A_836] : memref<4x32x128xf32, #tpu.memory_space<vmem>> -> memref<1x32x128xf32, #tpu.memory_space<vmem>>
      %gather3A_838 = tpu.memref_squeeze %gather3A_837 : memref<1x32x128xf32, #tpu.memory_space<vmem>> -> memref<32x128xf32, #tpu.memory_space<vmem>>
      %gather3A_839 = tpu.vector_load_idx %gather3A_838[%iota3A, %broadcast_in_dim3A_828] : memref<32x128xf32, #tpu.memory_space<vmem>>[vector<16xi32>, vector<16xi32>], vector<16xf32>,
      %add3A_840 = arith.constant 16 : i32
      %add3A_841 = vector.broadcast %add3A_840 : i32 to vector<16xi32>
      %add3A_842 = arith.addi %iota3A, %add3A_841 : vector<16xi32>
      %gather3A_843 = arith.constant 1 : i32
      %gather3A_844 = arith.constant 0 : i32
      %gather3A_845 = arith.constant 0 : i32
      %gather3A_846 = tpu.memref_slice %arg11[%gather3A_843, %gather3A_844, %gather3A_845] : memref<4x32x128xf32, #tpu.memory_space<vmem>> -> memref<1x32x128xf32, #tpu.memory_space<vmem>>
      %gather3A_847 = tpu.memref_squeeze %gather3A_846 : memref<1x32x128xf32, #tpu.memory_space<vmem>> -> memref<32x128xf32, #tpu.memory_space<vmem>>
      %gather3A_848 = tpu.vector_load_idx %gather3A_847[%add3A_842, %broadcast_in_dim3A_828] : memref<32x128xf32, #tpu.memory_space<vmem>>[vector<16xi32>, vector<16xi32>], vector<16xf32>,
      %gather3A_849 = arith.constant 1 : i32
      %gather3A_850 = arith.constant 0 : i32
      %gather3A_851 = arith.constant 0 : i32
      %gather3A_852 = tpu.memref_slice %arg12[%gather3A_849, %gather3A_850, %gather3A_851] : memref<4x32x128xf32, #tpu.memory_space<vmem>> -> memref<1x32x128xf32, #tpu.memory_space<vmem>>
      %gather3A_853 = tpu.memref_squeeze %gather3A_852 : memref<1x32x128xf32, #tpu.memory_space<vmem>> -> memref<32x128xf32, #tpu.memory_space<vmem>>
      %gather3A_854 = tpu.vector_load_idx %gather3A_853[%iota3A, %broadcast_in_dim3A_833] : memref<32x128xf32, #tpu.memory_space<vmem>>[vector<16xi32>, vector<16xi32>], vector<16xf32>,
      %add3A_855 = arith.constant 16 : i32
      %add3A_856 = vector.broadcast %add3A_855 : i32 to vector<16xi32>
      %add3A_857 = arith.addi %iota3A, %add3A_856 : vector<16xi32>
      %gather3A_858 = arith.constant 1 : i32
      %gather3A_859 = arith.constant 0 : i32
      %gather3A_860 = arith.constant 0 : i32
      %gather3A_861 = tpu.memref_slice %arg12[%gather3A_858, %gather3A_859, %gather3A_860] : memref<4x32x128xf32, #tpu.memory_space<vmem>> -> memref<1x32x128xf32, #tpu.memory_space<vmem>>
      %gather3A_862 = tpu.memref_squeeze %gather3A_861 : memref<1x32x128xf32, #tpu.memory_space<vmem>> -> memref<32x128xf32, #tpu.memory_space<vmem>>
      %gather3A_863 = tpu.vector_load_idx %gather3A_862[%add3A_857, %broadcast_in_dim3A_833] : memref<32x128xf32, #tpu.memory_space<vmem>>[vector<16xi32>, vector<16xi32>], vector<16xf32>,
      %mul3A_864 = arith.mulf %gather3A_839, %gather3A_854 : vector<16xf32>
      %mul3A_865 = arith.mulf %gather3A_848, %gather3A_863 : vector<16xf32>
      %add3A_866 = arith.addf %mul3A_864, %mul3A_865 : vector<16xf32>
      %add3A_867 = arith.constant 1 : i32
      %add3A_868 = arith.addi %add3A_770, %add3A_867 : i32
      %eq3A_869 = vector.broadcast %add3A_868 : i32 to vector<16xi32>
      %eq3A_870 = arith.cmpi eq, %iota3A, %eq3A_869 : vector<16xi32>
      %reduce_sum3A_871 = arith.constant true
      %reduce_sum3A_872 = vector.broadcast %reduce_sum3A_871 : i1 to vector<16xi1>
      %reduce_sum3A_873 = tpu.scan <sum>, %add3A_866 masked %reduce_sum3A_872 : vector<16xf32>, vector<16xi1> -> vector<16xf32>
      %reduce_sum3A_874 = vector.extract %reduce_sum3A_873[15] : f32 from vector<16xf32>
      %broadcast_in_dim3A_875 = vector.broadcast %reduce_sum3A_874 : f32 to vector<16xf32>
      %select_n3A_876 = arith.select %eq3A_870, %broadcast_in_dim3A_875, %select_n3A_823 : vector<16xi1>, vector<16xf32>
      %slice3A_877 = vector.extract_strided_slice %get3A_156 {offsets = [6], sizes = [1], strides = [1]} : vector<16xi32> to vector<1xi32>
      %squeeze3A_878 = vector.extract %slice3A_877[0] : i32 from vector<1xi32>
      %and3A_879 = arith.constant 127 : i32
      %and3A_880 = arith.andi %squeeze3A_878, %and3A_879 : i32
      %broadcast_in_dim3A_881 = vector.broadcast %and3A_880 : i32 to vector<16xi32>
      %slice3A_882 = vector.extract_strided_slice %get3A_160 {offsets = [6], sizes = [1], strides = [1]} : vector<16xi32> to vector<1xi32>
      %squeeze3A_883 = vector.extract %slice3A_882[0] : i32 from vector<1xi32>
      %and3A_884 = arith.constant 127 : i32
      %and3A_885 = arith.andi %squeeze3A_883, %and3A_884 : i32
      %broadcast_in_dim3A_886 = vector.broadcast %and3A_885 : i32 to vector<16xi32>
      %gather3A_887 = arith.constant 2 : i32
      %gather3A_888 = arith.constant 0 : i32
      %gather3A_889 = arith.constant 0 : i32
      %gather3A_890 = tpu.memref_slice %arg11[%gather3A_887, %gather3A_888, %gather3A_889] : memref<4x32x128xf32, #tpu.memory_space<vmem>> -> memref<1x32x128xf32, #tpu.memory_space<vmem>>
      %gather3A_891 = tpu.memref_squeeze %gather3A_890 : memref<1x32x128xf32, #tpu.memory_space<vmem>> -> memref<32x128xf32, #tpu.memory_space<vmem>>
      %gather3A_892 = tpu.vector_load_idx %gather3A_891[%iota3A, %broadcast_in_dim3A_881] : memref<32x128xf32, #tpu.memory_space<vmem>>[vector<16xi32>, vector<16xi32>], vector<16xf32>,
      %add3A_893 = arith.constant 16 : i32
      %add3A_894 = vector.broadcast %add3A_893 : i32 to vector<16xi32>
      %add3A_895 = arith.addi %iota3A, %add3A_894 : vector<16xi32>
      %gather3A_896 = arith.constant 2 : i32
      %gather3A_897 = arith.constant 0 : i32
      %gather3A_898 = arith.constant 0 : i32
      %gather3A_899 = tpu.memref_slice %arg11[%gather3A_896, %gather3A_897, %gather3A_898] : memref<4x32x128xf32, #tpu.memory_space<vmem>> -> memref<1x32x128xf32, #tpu.memory_space<vmem>>
      %gather3A_900 = tpu.memref_squeeze %gather3A_899 : memref<1x32x128xf32, #tpu.memory_space<vmem>> -> memref<32x128xf32, #tpu.memory_space<vmem>>
      %gather3A_901 = tpu.vector_load_idx %gather3A_900[%add3A_895, %broadcast_in_dim3A_881] : memref<32x128xf32, #tpu.memory_space<vmem>>[vector<16xi32>, vector<16xi32>], vector<16xf32>,
      %gather3A_902 = arith.constant 2 : i32
      %gather3A_903 = arith.constant 0 : i32
      %gather3A_904 = arith.constant 0 : i32
      %gather3A_905 = tpu.memref_slice %arg12[%gather3A_902, %gather3A_903, %gather3A_904] : memref<4x32x128xf32, #tpu.memory_space<vmem>> -> memref<1x32x128xf32, #tpu.memory_space<vmem>>
      %gather3A_906 = tpu.memref_squeeze %gather3A_905 : memref<1x32x128xf32, #tpu.memory_space<vmem>> -> memref<32x128xf32, #tpu.memory_space<vmem>>
      %gather3A_907 = tpu.vector_load_idx %gather3A_906[%iota3A, %broadcast_in_dim3A_886] : memref<32x128xf32, #tpu.memory_space<vmem>>[vector<16xi32>, vector<16xi32>], vector<16xf32>,
      %add3A_908 = arith.constant 16 : i32
      %add3A_909 = vector.broadcast %add3A_908 : i32 to vector<16xi32>
      %add3A_910 = arith.addi %iota3A, %add3A_909 : vector<16xi32>
      %gather3A_911 = arith.constant 2 : i32
      %gather3A_912 = arith.constant 0 : i32
      %gather3A_913 = arith.constant 0 : i32
      %gather3A_914 = tpu.memref_slice %arg12[%gather3A_911, %gather3A_912, %gather3A_913] : memref<4x32x128xf32, #tpu.memory_space<vmem>> -> memref<1x32x128xf32, #tpu.memory_space<vmem>>
      %gather3A_915 = tpu.memref_squeeze %gather3A_914 : memref<1x32x128xf32, #tpu.memory_space<vmem>> -> memref<32x128xf32, #tpu.memory_space<vmem>>
      %gather3A_916 = tpu.vector_load_idx %gather3A_915[%add3A_910, %broadcast_in_dim3A_886] : memref<32x128xf32, #tpu.memory_space<vmem>>[vector<16xi32>, vector<16xi32>], vector<16xf32>,
      %mul3A_917 = arith.mulf %gather3A_892, %gather3A_907 : vector<16xf32>
      %mul3A_918 = arith.mulf %gather3A_901, %gather3A_916 : vector<16xf32>
      %add3A_919 = arith.addf %mul3A_917, %mul3A_918 : vector<16xf32>
      %add3A_920 = arith.constant 2 : i32
      %add3A_921 = arith.addi %add3A_770, %add3A_920 : i32
      %eq3A_922 = vector.broadcast %add3A_921 : i32 to vector<16xi32>
      %eq3A_923 = arith.cmpi eq, %iota3A, %eq3A_922 : vector<16xi32>
      %reduce_sum3A_924 = arith.constant true
      %reduce_sum3A_925 = vector.broadcast %reduce_sum3A_924 : i1 to vector<16xi1>
      %reduce_sum3A_926 = tpu.scan <sum>, %add3A_919 masked %reduce_sum3A_925 : vector<16xf32>, vector<16xi1> -> vector<16xf32>
      %reduce_sum3A_927 = vector.extract %reduce_sum3A_926[15] : f32 from vector<16xf32>
      %broadcast_in_dim3A_928 = vector.broadcast %reduce_sum3A_927 : f32 to vector<16xf32>
      %select_n3A_929 = arith.select %eq3A_923, %broadcast_in_dim3A_928, %select_n3A_876 : vector<16xi1>, vector<16xf32>
      %slice3A_930 = vector.extract_strided_slice %get3A_156 {offsets = [7], sizes = [1], strides = [1]} : vector<16xi32> to vector<1xi32>
      %squeeze3A_931 = vector.extract %slice3A_930[0] : i32 from vector<1xi32>
      %and3A_932 = arith.constant 127 : i32
      %and3A_933 = arith.andi %squeeze3A_931, %and3A_932 : i32
      %broadcast_in_dim3A_934 = vector.broadcast %and3A_933 : i32 to vector<16xi32>
      %slice3A_935 = vector.extract_strided_slice %get3A_160 {offsets = [7], sizes = [1], strides = [1]} : vector<16xi32> to vector<1xi32>
      %squeeze3A_936 = vector.extract %slice3A_935[0] : i32 from vector<1xi32>
      %and3A_937 = arith.constant 127 : i32
      %and3A_938 = arith.andi %squeeze3A_936, %and3A_937 : i32
      %broadcast_in_dim3A_939 = vector.broadcast %and3A_938 : i32 to vector<16xi32>
      %gather3A_940 = arith.constant 3 : i32
      %gather3A_941 = arith.constant 0 : i32
      %gather3A_942 = arith.constant 0 : i32
      %gather3A_943 = tpu.memref_slice %arg11[%gather3A_940, %gather3A_941, %gather3A_942] : memref<4x32x128xf32, #tpu.memory_space<vmem>> -> memref<1x32x128xf32, #tpu.memory_space<vmem>>
      %gather3A_944 = tpu.memref_squeeze %gather3A_943 : memref<1x32x128xf32, #tpu.memory_space<vmem>> -> memref<32x128xf32, #tpu.memory_space<vmem>>
      %gather3A_945 = tpu.vector_load_idx %gather3A_944[%iota3A, %broadcast_in_dim3A_934] : memref<32x128xf32, #tpu.memory_space<vmem>>[vector<16xi32>, vector<16xi32>], vector<16xf32>,
      %add3A_946 = arith.constant 16 : i32
      %add3A_947 = vector.broadcast %add3A_946 : i32 to vector<16xi32>
      %add3A_948 = arith.addi %iota3A, %add3A_947 : vector<16xi32>
      %gather3A_949 = arith.constant 3 : i32
      %gather3A_950 = arith.constant 0 : i32
      %gather3A_951 = arith.constant 0 : i32
      %gather3A_952 = tpu.memref_slice %arg11[%gather3A_949, %gather3A_950, %gather3A_951] : memref<4x32x128xf32, #tpu.memory_space<vmem>> -> memref<1x32x128xf32, #tpu.memory_space<vmem>>
      %gather3A_953 = tpu.memref_squeeze %gather3A_952 : memref<1x32x128xf32, #tpu.memory_space<vmem>> -> memref<32x128xf32, #tpu.memory_space<vmem>>
      %gather3A_954 = tpu.vector_load_idx %gather3A_953[%add3A_948, %broadcast_in_dim3A_934] : memref<32x128xf32, #tpu.memory_space<vmem>>[vector<16xi32>, vector<16xi32>], vector<16xf32>,
      %gather3A_955 = arith.constant 3 : i32
      %gather3A_956 = arith.constant 0 : i32
      %gather3A_957 = arith.constant 0 : i32
      %gather3A_958 = tpu.memref_slice %arg12[%gather3A_955, %gather3A_956, %gather3A_957] : memref<4x32x128xf32, #tpu.memory_space<vmem>> -> memref<1x32x128xf32, #tpu.memory_space<vmem>>
      %gather3A_959 = tpu.memref_squeeze %gather3A_958 : memref<1x32x128xf32, #tpu.memory_space<vmem>> -> memref<32x128xf32, #tpu.memory_space<vmem>>
      %gather3A_960 = tpu.vector_load_idx %gather3A_959[%iota3A, %broadcast_in_dim3A_939] : memref<32x128xf32, #tpu.memory_space<vmem>>[vector<16xi32>, vector<16xi32>], vector<16xf32>,
      %add3A_961 = arith.constant 16 : i32
      %add3A_962 = vector.broadcast %add3A_961 : i32 to vector<16xi32>
      %add3A_963 = arith.addi %iota3A, %add3A_962 : vector<16xi32>
      %gather3A_964 = arith.constant 3 : i32
      %gather3A_965 = arith.constant 0 : i32
      %gather3A_966 = arith.constant 0 : i32
      %gather3A_967 = tpu.memref_slice %arg12[%gather3A_964, %gather3A_965, %gather3A_966] : memref<4x32x128xf32, #tpu.memory_space<vmem>> -> memref<1x32x128xf32, #tpu.memory_space<vmem>>
      %gather3A_968 = tpu.memref_squeeze %gather3A_967 : memref<1x32x128xf32, #tpu.memory_space<vmem>> -> memref<32x128xf32, #tpu.memory_space<vmem>>
      %gather3A_969 = tpu.vector_load_idx %gather3A_968[%add3A_963, %broadcast_in_dim3A_939] : memref<32x128xf32, #tpu.memory_space<vmem>>[vector<16xi32>, vector<16xi32>], vector<16xf32>,
      %mul3A_970 = arith.mulf %gather3A_945, %gather3A_960 : vector<16xf32>
      %mul3A_971 = arith.mulf %gather3A_954, %gather3A_969 : vector<16xf32>
      %add3A_972 = arith.addf %mul3A_970, %mul3A_971 : vector<16xf32>
      %add3A_973 = arith.constant 3 : i32
      %add3A_974 = arith.addi %add3A_770, %add3A_973 : i32
      %eq3A_975 = vector.broadcast %add3A_974 : i32 to vector<16xi32>
      %eq3A_976 = arith.cmpi eq, %iota3A, %eq3A_975 : vector<16xi32>
      %reduce_sum3A_977 = arith.constant true
      %reduce_sum3A_978 = vector.broadcast %reduce_sum3A_977 : i1 to vector<16xi1>
      %reduce_sum3A_979 = tpu.scan <sum>, %add3A_972 masked %reduce_sum3A_978 : vector<16xf32>, vector<16xi1> -> vector<16xf32>
      %reduce_sum3A_980 = vector.extract %reduce_sum3A_979[15] : f32 from vector<16xf32>
      %broadcast_in_dim3A_981 = vector.broadcast %reduce_sum3A_980 : f32 to vector<16xf32>
      %select_n3A_982 = arith.select %eq3A_976, %broadcast_in_dim3A_981, %select_n3A_929 : vector<16xi1>, vector<16xf32>
      %jit3A_983 = arith.constant 2 : i32
      %eq3A_984 = arith.constant 0 : i32
      %eq3A_985 = arith.cmpi eq, %jit3A_983, %eq3A_984 : i32
      %jit3A_986 = arith.constant 1 : i32
      %select_n3A_987 = arith.select %eq3A_985, %jit3A_986, %jit3A_983 : i32
      %rem3A_988 = arith.remsi %scan3A_151, %select_n3A_987 : i32
      %ne3A_989 = arith.constant 0 : i32
      %ne3A_990 = arith.cmpi ne, %rem3A_988, %ne3A_989 : i32
      %lt3A_991 = arith.constant 0 : i32
      %lt3A_992 = arith.cmpi slt, %rem3A_988, %lt3A_991 : i32
      %lt3A_993 = arith.constant 0 : i32
      %lt3A_994 = arith.cmpi slt, %select_n3A_987, %lt3A_993 : i32
      %ne3A_995 = arith.xori %lt3A_992, %lt3A_994 : i1
      %and3A_996 = arith.andi %ne3A_995, %ne3A_990 : i1
      %add3A_997 = arith.addi %rem3A_988, %select_n3A_987 : i32
      %select_n3A_998 = arith.select %and3A_996, %add3A_997, %rem3A_988 : i32
      %eq3A_999 = arith.constant 1 : i32
      %eq3A_1000 = arith.cmpi eq, %select_n3A_998, %eq3A_999 : i32
      %convert_element_type3A_1001 = arith.extui %eq3A_1000 : i1 to i32
      %cond3A_1002 = arith.constant 0 : i32
      %cond3A_1003 = arith.cmpi ne, %convert_element_type3A_1001, %cond3A_1002 : i32
      scf.if %cond3A_1003 {
        %jit3A_1025 = arith.constant 2 : i32
        %div3A = arith.divsi %scan3A_151, %jit3A_1025 : i32
        %sign3A = arith.constant 0 : i32
        %sign3A_1026 = arith.cmpi sgt, %scan3A_151, %sign3A : i32
        %sign3A_1027 = arith.extui %sign3A_1026 : i1 to i32
        %sign3A_1028 = arith.constant 0 : i32
        %sign3A_1029 = arith.cmpi slt, %scan3A_151, %sign3A_1028 : i32
        %sign3A_1030 = arith.extui %sign3A_1029 : i1 to i32
        %sign3A_1031 = arith.subi %sign3A_1027, %sign3A_1030 : i32
        %sign3A_1032 = arith.constant 0 : i32
        %sign3A_1033 = arith.cmpi sgt, %jit3A_1025, %sign3A_1032 : i32
        %sign3A_1034 = arith.extui %sign3A_1033 : i1 to i32
        %sign3A_1035 = arith.constant 0 : i32
        %sign3A_1036 = arith.cmpi slt, %jit3A_1025, %sign3A_1035 : i32
        %sign3A_1037 = arith.extui %sign3A_1036 : i1 to i32
        %sign3A_1038 = arith.subi %sign3A_1034, %sign3A_1037 : i32
        %ne3A_1039 = arith.cmpi ne, %sign3A_1031, %sign3A_1038 : i32
        %rem3A_1040 = arith.remsi %scan3A_151, %jit3A_1025 : i32
        %ne3A_1041 = arith.constant 0 : i32
        %ne3A_1042 = arith.cmpi ne, %rem3A_1040, %ne3A_1041 : i32
        %and3A_1043 = arith.andi %ne3A_1039, %ne3A_1042 : i1
        %sub3A = arith.constant 1 : i32
        %sub3A_1044 = arith.subi %div3A, %sub3A : i32
        %select_n3A_1045 = arith.select %and3A_1043, %sub3A_1044, %div3A : i32
        %mul3A_1046 = arith.constant 16 : i32
        %mul3A_1047 = arith.muli %select_n3A_1045, %mul3A_1046 : i32
        %swap3A = arith.index_cast %mul3A_1047 : i32 to index
        %swap3A_1048 = tpu.vector_load %arg13[%swap3A] {strides = array<i32>} : memref<512xf32, #tpu.memory_space<vmem>>, vector<16xf32>,
        tpu.vector_store %arg13[%swap3A], %select_n3A_982 {strides = array<i32>} : memref<512xf32, #tpu.memory_space<vmem>>, vector<16xf32>,
      } else {
      }
      %jit3A_1004 = arith.constant 2 : i32
      %eq3A_1005 = arith.constant 0 : i32
      %eq3A_1006 = arith.cmpi eq, %jit3A_1004, %eq3A_1005 : i32
      %jit3A_1007 = arith.constant 1 : i32
      %select_n3A_1008 = arith.select %eq3A_1006, %jit3A_1007, %jit3A_1004 : i32
      %rem3A_1009 = arith.remsi %scan3A_151, %select_n3A_1008 : i32
      %ne3A_1010 = arith.constant 0 : i32
      %ne3A_1011 = arith.cmpi ne, %rem3A_1009, %ne3A_1010 : i32
      %lt3A_1012 = arith.constant 0 : i32
      %lt3A_1013 = arith.cmpi slt, %rem3A_1009, %lt3A_1012 : i32
      %lt3A_1014 = arith.constant 0 : i32
      %lt3A_1015 = arith.cmpi slt, %select_n3A_1008, %lt3A_1014 : i32
      %ne3A_1016 = arith.xori %lt3A_1013, %lt3A_1015 : i1
      %and3A_1017 = arith.andi %ne3A_1016, %ne3A_1011 : i1
      %add3A_1018 = arith.addi %rem3A_1009, %select_n3A_1008 : i32
      %select_n3A_1019 = arith.select %and3A_1017, %add3A_1018, %rem3A_1009 : i32
      %eq3A_1020 = arith.constant 1 : i32
      %eq3A_1021 = arith.cmpi eq, %select_n3A_1019, %eq3A_1020 : i32
      %broadcast_in_dim3A_1022 = arith.constant 0.000000e+00 : f32
      %broadcast_in_dim3A_1023 = vector.broadcast %broadcast_in_dim3A_1022 : f32 to vector<16xf32>
      %select_n3A_1024 = arith.select %eq3A_1021, %broadcast_in_dim3A_1023, %select_n3A_982 : vector<16xf32>
      scf.yield %select_n3A_1024 : vector<16xf32>
    }
    %scan3A_150 = arith.constant 64 : i32
    "tpu.region"() ({
      %run_scoped3A = tpu.sem_alloc : memref<!tpu.dma_semaphore, #tpu.memory_space<semaphore_mem>>
      %dma_start3A_151 = tpu.memref_slice %arg6[%mul3A_2] : memref<16384xf32, #tpu.memory_space<hbm>> -> memref<512xf32, #tpu.memory_space<hbm>>
      %dma_start3A_152 = tpu.memref_slice %arg6[%mul3A_2] : memref<16384xf32, #tpu.memory_space<hbm>> -> memref<512xf32, #tpu.memory_space<hbm>>
      tpu.enqueue_dma source(%arg13 : memref<512xf32, #tpu.memory_space<vmem>>) target(%dma_start3A_152 : memref<512xf32, #tpu.memory_space<hbm>>) target_semaphore(%run_scoped3A : memref<!tpu.dma_semaphore, #tpu.memory_space<semaphore_mem>>)
      %dma_wait3A = tpu.memref_slice %arg6[%mul3A_2] : memref<16384xf32, #tpu.memory_space<hbm>> -> memref<512xf32, #tpu.memory_space<hbm>>
      %dma_wait3A_153 = tpu.memref_slice %arg6[%mul3A_2] : memref<16384xf32, #tpu.memory_space<hbm>> -> memref<512xf32, #tpu.memory_space<hbm>>
      tpu.wait_dma2 semaphore(%run_scoped3A : memref<!tpu.dma_semaphore, #tpu.memory_space<semaphore_mem>>) src(%arg13 : memref<512xf32, #tpu.memory_space<vmem>>) dst(%dma_wait3A_153 : memref<512xf32, #tpu.memory_space<hbm>>)
      tpu.yield
    }) : () -> ()
    return
  }
}

</mosaic_0001>

<sc_bundles>
// kernel: _mf_dot.3.cloned.1.call-start
scs
__scs_entry_jumppad:
0x0: {  	(pc) =	sbr.rel $0x88, $3  }
0x1: {  	(tag) =	ssettag $0x0;
	lr =	simm.s32 $0x1  }
0x2: {  	[smem:$0x3F9D] =	sst lr;
	_ =	strace $0xD0000000  }
0x3: {  	_ = 	snop  }
0x4: {  	_ = 	snop  }
0x5: {  	_ = 	snop  }
0x6: {  	_ = 	snop  }
0x7: {  	_ = 	snop  }
__scs_overlays_trampoline_lowered:
0x8: {  	[smem:$0x3FAC] =	sst s0  }
0x9: {  	[smem:$0x3FAD] =	sst s1  }
0xa: {  	[smem:$0x3FAE] =	sst s2  }
0xb: {  	[smem:$0x3FAF] =	sst s3  }
0xc: {  	[smem:$0x3FB0] =	sst s4  }
0xd: {  	[smem:$0x3FB1] =	sst s5  }
0xe: {  	[smem:$0x3FB2] =	sst s6  }
0xf: {  	[smem:$0x3FB3] =	sst s7  }
0x10: {  	[smem:$0x3FB4] =	sst s8  }
0x11: {  	[smem:$0x3FB5] =	sst s9;
	s0 =	simm.s32 @!p0 $0x0  }
0x12: {  	s1 =	sld [smem:$0x3F9B];
	s0 =	simm.s32 @p0 $0x1  }
0x13: {  	[smem:$0x3FB6] =	sst s0;
	s0 =	simm.s32 @!p1 $0x0  }
0x14: {  	s2 =	sld [smem:$0x3F9A];
	s0 =	simm.s32 @p1 $0x1  }
0x15: {  	[smem:$0x3FB7] =	sst s0;
	s0 =	simm.s32 @!p2 $0x0  }
0x16: {  	s3 =	sld [smem:$0x3FDB];
	s0 =	simm.s32 @p2 $0x1  }
0x17: {  	s4 =	simm.s32 $0x1BF5;
	[smem:$0x3FB9] =	sst s0  }
0x18: {  	s0 =	sld [smem:$0x3F9C];
	_ =	swait.ge [sflag:s4], $0x0  }
0x19: {  	s7 =	sld [smem:$0x3F9D]  }
0x1a: {  	s8 =	sadd.s32 $0xFFFFE003, lr  }
0x1b: {  	s9 =	sadd.s32 $0xFFFFFEF7, lr;
	s5 =	simm.s32 $0xFFFFFFFF;
	p2 =	slt.u32 s8, $0xFFFFF086  }
0x1c: {  	p1 =	slt.u32 s9, $0xF7A;
	s5 =	simm.s32 @!p2 $0x0  }
0x1d: {  	s5 =	simm.s32 @p1 $0x1;
	p0 =	seq.s32 s7, s2  }
0x1e: {  	s7 =	smul.u32 @!p0 $0xF7A, s2;
	p2 =	seq.s32 @!p0 s5, $0x0  }
0x1f: {  	s9 =	smul.u32 $0xF7A, s1;
	s8 =	simm.s32 @!p0 $0x1BF5;
	p2 =	por !p2, p0  }
0x20: {  	[sflag:s8] =	ssyncset.s32 @!p0 $0xFFFFF086;
	s6 =	sadd.s32 @!p0 s3, s7;
	s7 =	simm.s32 @!p0 $0x108  }
0x21: {  	s3 =	sadd.s32 s3, s9;
	s6 =	sadd.s32 @!p0 $0x88, s6;
	s7 =	simm.s32 @p2 $0x1082  }
0x22: {  	[simem:s7], [sflag:s8] =	dma.local @!p0 [hbm:s6], $0xF7A  }
0x23: {  	s9 =	sor.u32 $0xD0000000, s2;
	s6 =	simm.s32 $0x108;
	_ =	swait.ge @!p0 [sflag:s8], $0x0  }
0x24: {  	s3 =	sadd.s32 $0x88, s3;
	s6 =	simm.s32 @!p1 $0x1082;
	[sflag:s4] =	ssyncset.s32 $0xFFFFF086  }
0x25: {  	[simem:s6], [sflag:s4] =	dma.local [hbm:s3], $0xF7A  }
0x26: {  	[smem:$0x3F9D] =	sst s1;
	(tag) =	ssettag s2;
	_ =	strace s9  }
0x27: {  	s1 =	sld [smem:$0x3FAD]  }
0x28: {  	s2 =	sld [smem:$0x3FAE]  }
0x29: {  	s4 =	sld [smem:$0x3FB0]  }
0x2a: {  	p0 =	seq.s32 s5, $0x0;
	s5 =	sld [smem:$0x3FB1]  }
0x2b: {  	s6 =	sld [smem:$0x3FB2]  }
0x2c: {  	s7 =	sld [smem:$0x3FB3]  }
0x2d: {  	s3 =	simm.s32 $0x108;
	s8 =	sld [smem:$0x3FB4]  }
0x2e: {  	s3 =	simm.s32 @!p0 $0x1082;
	s9 =	sld [smem:$0x3FB5]  }
0x2f: {  	lr =	sadd.s32 s0, s3;
	s0 =	sld [smem:$0x3FAC]  }
0x30: {  	s3 =	sld [smem:$0x3FAF]  }
0x31: {  	[smem:$0x3FB8] =	sst s10  }
0x32: {  	s10 =	sld [smem:$0x3FB6];
	_ =	sdelay $0x3  }
0x33: {  	p0 =	seq.s32 s10, $0x1;
	s10 =	sld [smem:$0x3FB8];
	_ =	sdelay $0x3  }
0x34: {  	[smem:$0x3FB8] =	sst s10  }
0x35: {  	s10 =	sld [smem:$0x3FB7];
	_ =	sdelay $0x3  }
0x36: {  	p1 =	seq.s32 s10, $0x1;
	s10 =	sld [smem:$0x3FB8];
	_ =	sdelay $0x3  }
0x37: {  	[smem:$0x3FB8] =	sst s10  }
0x38: {  	s10 =	sld [smem:$0x3FB9]  }
0x39: {  	_ = 	snop;
	(pc) =	sbr.ind lr, $3  }
0x3a: {  	_ = 	snop  }
0x3b: {  	_ = 	snop  }
0x3c: {  	p2 =	seq.s32 s10, $0x1;
	s10 =	sld [smem:$0x3FB8]  }
0x3d: {  	_ =	shalt  }
0x3e: {  	_ =	shalt  }
0x3f: {  	_ =	shalt  }
0x40: {  	_ =	shalt  }
0x41: {  	_ =	shalt  }
0x42: {  	_ =	shalt  }
0x43: {  	_ =	shalt  }
0x44: {  	_ =	shalt  }
0x45: {  	_ =	shalt  }
0x46: {  	_ =	shalt  }
0x47: {  	_ =	shalt  }
0x48: {  	_ =	shalt  }
0x49: {  	_ =	shalt  }
0x4a: {  	_ =	shalt  }
0x4b: {  	_ =	shalt  }
0x4c: {  	_ =	shalt  }
0x4d: {  	_ =	shalt  }
0x4e: {  	_ =	shalt  }
0x4f: {  	_ =	shalt  }
0x50: {  	_ =	shalt  }
0x51: {  	_ =	shalt  }
0x52: {  	_ =	shalt  }
0x53: {  	_ =	shalt  }
0x54: {  	_ =	shalt  }
0x55: {  	_ =	shalt  }
0x56: {  	_ =	shalt  }
0x57: {  	_ =	shalt  }
0x58: {  	_ =	shalt  }
0x59: {  	_ =	shalt  }
0x5a: {  	_ =	shalt  }
0x5b: {  	_ =	shalt  }
0x5c: {  	_ =	shalt  }
0x5d: {  	_ =	shalt  }
0x5e: {  	_ =	shalt  }
0x5f: {  	_ =	shalt  }
0x60: {  	_ =	shalt  }
0x61: {  	_ =	shalt  }
0x62: {  	_ =	shalt  }
0x63: {  	_ =	shalt  }
0x64: {  	_ =	shalt  }
0x65: {  	_ =	shalt  }
0x66: {  	_ =	shalt  }
0x67: {  	_ =	shalt  }
0x68: {  	_ =	shalt  }
0x69: {  	_ =	shalt  }
0x6a: {  	_ =	shalt  }
0x6b: {  	_ =	shalt  }
0x6c: {  	_ =	shalt  }
0x6d: {  	_ =	shalt  }
0x6e: {  	_ =	shalt  }
0x6f: {  	_ =	shalt  }
0x70: {  	_ =	shalt  }
0x71: {  	_ =	shalt  }
0x72: {  	_ =	shalt  }
0x73: {  	_ =	shalt  }
0x74: {  	_ =	shalt  }
0x75: {  	_ =	shalt  }
0x76: {  	_ =	shalt  }
0x77: {  	_ =	shalt  }
0x78: {  	_ =	shalt  }
0x79: {  	_ =	shalt  }
0x7a: {  	_ =	shalt  }
0x7b: {  	_ =	shalt  }
0x7c: {  	_ =	shalt  }
0x7d: {  	_ =	shalt  }
0x7e: {  	_ =	shalt  }
0x7f: {  	_ =	shalt  }
0x80: {  	_ =	shalt  }
0x81: {  	_ =	shalt  }
0x82: {  	_ =	shalt  }
0x83: {  	_ =	shalt  }
0x84: {  	_ =	shalt  }
0x85: {  	_ =	shalt  }
0x86: {  	_ =	shalt  }
0x87: {  	_ =	shalt  }
.Lfunc_end0:
.L_simem_size_0:
called_computation_lowered:
.L_overlay_start_0:
0x88: {  	s2 =	sld [smem:$0x3FD9]  }
0x89: {  	s3 =	sld [smem:$0x3FFE];
	_ =	sdelay $0x1  }
0x8a: {  	s1 =	srdreg.scid  }
0x8b: {  	s0 =	sand.u32 $0x1, s1  }
0x8c: {  	s18 =	sshll.u32 s0, $0xA;
	s2 =	sadd.s32 s3, s2  }
0x8d: {  	s2 =	sadd.s32 s2, s18  }
0x8e: {  	[smem:$0x3FC4] =	sst s2  }
0x8f: {  	_ = 	snop  }
0x90: {  	s2 =	sld [smem:$0x3FC9]  }
0x91: {  	s19 =	sld [smem:$0x3FC8]  }
0x92: {  	s4 =	sld [smem:$0x3FC7]  }
0x93: {  	s5 =	sld [smem:$0x3FC6]  }
0x94: {  	s6 =	sld [smem:$0x3FD0];
	(tm) =	ssettm $0x1  }
0x95: {  	s7 =	sld [smem:$0x3FFB];
	_ =	sdelay $0x3  }
0x96: {  	_ =	strace s7  }
0x97: {  	s7 =	sld [smem:$0x3FFC];
	_ =	sdelay $0x3  }
0x98: {  	_ =	strace s7  }
0x99: {  	s7 =	sld [smem:$0x3FFD];
	_ =	sdelay $0x3  }
0x9a: {  	_ =	strace s7  }
0x9b: {  	_ =	strace $0x8FFFFFFF  }
0x9c: {  	s20 =	sld [smem:$0x3FDB];
	_ =	sdelay $0x1  }
0x9d: {  	s8 =	simm.s32 $_scs_section_size  }
0x9e: {  	s9 =	simm.s32 $_size__tile_overlayer_lowered;
	s10 =	simm.s32 $_tile_overlayer_lowered  }
0x9f: {  	s23 =	simm.s32 $0x1BFF;
	s22 =	sshll.u32 s10, $0x1;
	s7 =	sadd.s32 s8, s20  }
0xa0: {  	s11 =	simm.s32 $0x0;
	s21 =	sshll.u32 s9, $0x1;
	s9 =	sadd.s32 s22, s7  }
0xa1: {  	[timem:s11], [sflag:s23] =	dma.local [hbm:s9], s21  }
0xa2: {  	_ =	swait.ge [sflag:s23], s21  }
0xa3: {  	s8 =	ssub.s32 $0x0, s21;
	[sflag:s23] =	ssyncset.done $0x0  }
0xa4: {  	[sflag:s23] =	ssyncadd.s32 s8;
	_ =	sdelay $0x1  }
0xa5: {  	s24 =	simm.s32 $0x1B8B  }
0xa6: {  	_ =	swait.ge [sflag:s24], $0x1  }
0xa7: {  	[sflag:s24] =	ssyncset.done $0x0  }
0xa8: {  	s25 =	simm.s32 $0x1B8E;
	[sflag:s24] =	ssyncadd.s32 $0xFFFFFFFF  }
0xa9: {  	s26 =	simm.s32 $execute0_lowered;
	[smem:$0x3FD2] =	sst s25  }
0xaa: {  	s8 =	sshll.u32 s26, $0x1;
	_ =	strace $0x80000046;
	[dreg:$0x1] =	wrdreg $0xFFFFFFFF  }
0xab: {  	s28 =	simm.s32 $_size_execute0_lowered;
	s7 =	sadd.s32 s7, s8;
	[dreg:$0x0] =	wrdreg $0x0  }
0xac: {  	s8 =	sshll.u32 s28, $0x1;
	[dreg:$0x2] =	wrdreg s7  }
0xad: {  	[dreg:$0x3] =	wrdreg s8  }
0xae: {  	[dreg:$0x4] =	wrdreg $0xC0  }
0xaf: {  	_ =	task [dreg:s11], $0x5FFFF  }
0xb0: {  	[dreg:$0x1] =	wrdreg $0xFFFFFFFF  }
0xb1: {  	[dreg:$0x0] =	wrdreg $0x60  }
0xb2: {  	[dreg:$0x2] =	wrdreg s2  }
0xb3: {  	[dreg:$0x3] =	wrdreg s19  }
0xb4: {  	[dreg:$0x4] =	wrdreg s4  }
0xb5: {  	[dreg:$0x5] =	wrdreg s5  }
0xb6: {  	[dreg:$0x6] =	wrdreg s6  }
0xb7: {  	[dreg:$0x7] =	wrdreg $0x9  }
0xb8: {  	_ =	task.clear_ibuf [dreg:s11], $0x8FFFF;
	_ =	strace $0x90000046  }
0xb9: {  	s29 =	simm.s32 $0x9;
	_ =	strace $0x80000048  }
0xba: {  	_ =	swait.ge [sflag:s29], $0x1  }
0xbb: {  	[sflag:s29] =	ssyncadd.s32 $0xFFFFFFFF  }
0xbc: {  	_ =	strace $0x90000048  }
0xbd: {  	_ =	sfence  }
0xbe: {  	s30 =	sld [smem:$0x0];
	_ =	sdelay $0x2  }
0xbf: {  	s31 =	sshll.u32 s1, $0xD;
	s1 =	sshrl.u32 s1, $0x2  }
0xc0: {  	s3 =	sand.u32 $0x4000, s31;
	s1 =	sadd.s32 s1, s30  }
0xc1: {  	s0 =	sor.u32 s3, s0;
	s1 =	sshll.u32 s1, $0x11  }
0xc2: {  	s0 =	sor.u32 s1, s0  }
0xc3: {  	s0 =	sadd.s32 $0x8F2B, s0  }
0xc4: {  	[sflag:s0] =	ssyncadd.remote.s32 $0x1  }
0xc5: {  	_ =	sfence.sel $0xFFFF  }
0xc6: {  	[dreg:$0x0] =	wrdreg $0xFFFFFFFF;
	(pc) =	sbr.abs _section_cstart, $3  }
0xc7: {  	[dreg:$0x1] =	wrdreg $0xFFFFFFFF  }
0xc8: {  	_ =	task.clear_ibuf [dreg:s11], $0x2FFFF;
	_ =	strace $0x9FFFFFFF  }
0xc9: {  	(tm) =	ssettm $0x7FFFFFFF  }
tec
execute0_lowered:
.L_overlay_start_1:
0x0: {  	(tag) =	ssettag $0x1  }
0x1: {  	s0 =	rddreg [dreg:$0x0]  }
0x2: {  	s1 =	rddreg [dreg:$0x1]  }
0x3: {  	s26 =	rddreg [dreg:$0x2]  }
0x4: {  	s11 =	rddreg [dreg:$0x3]  }
0x5: {  	s2 =	rddreg [dreg:$0x4];
	s3 =	srdreg.scid;
	s12 =	simm.s32 $0x0  }
0x6: {  	s5 =	stileid.u32;
	s28 =	simm.s32 $0x400;
	s10 =	simm.s32 $0x7A1400  }
0x7: {  	s29 =	simm.s32 $0x500;
	s7 =	simm.s32 $0x3500;
	s8 =	simm.s32 $0x7500  }
0x8: {  	s13 =	simm.s32 $0x8500;
	s14 =	simm.s32 $0xC500;
	s18 =	simm.s32 $0x9500  }
0x9: {  	s19 =	simm.s32 $0xD500;
	s20 =	simm.s32 $0xA500;
	s15 =	simm.s32 $0xB500  }
0xa: {  	s17 =	simm.s32 $0xF500;
	s30 =	simm.s32 $0x1;
	s31 =	simm.s32 $0x2  }
0xb: {  	s3 =	sand.u32 $0x1, s3;
	s5 =	sshll.u32 s5, $0x7;
	[smem:$0x7FF] =	sst s12  }
0xc: {  	s4 =	ssub.s32 $0x2, s3;
	s3 =	sshll.u32 s3, $0x6;
	_ =	strace $0x80000047  }
0xd: {  	s6 =	sshrl.u32 s4, $0x1;
	s3 =	sor.u32 s3, s5;
	s5 =	simm.s32 $0x2500  }
0xe: {  	s4 =	ssub.s32 s4, s6;
	s0 =	sadd.s32 s0, s3;
	s23 =	sadd.s32 s1, s3  }
0xf: {  	v0 =	vlaneseq.u32;
	s24 =	sadd.s32 s2, s3;
	s1 =	simm.s32 $0x3;
	[dreg:$0x7] =	wrdreg s0  }
0x10: {  	v1 =	vmul.u32 $0x80, v0;
	s3 =	simm.s32 $0x4500;
	s6 =	simm.s32 $0x6500;
	[dreg:$0x8] =	wrdreg s23  }
0x11: {  	s2 =	simm.s32 $0x0;
	[dreg:$0x9] =	wrdreg s24;
	s25 =	smax.u32 s4, $0x1  }
0x12: {  	v2 =	vor.u32 $0x800, v1;
	s4 =	simm.s32 $0x5500;
	[dreg:$0xa] =	wrdreg s25;
	s25 =	simm.s32 $0x1500  }
.LBB2_1:
0x13: {  	[dreg:$0xb] =	wrdreg s2  }
0x14: {  	s0 =	rddreg [dreg:$0x7]  }
0x15: {  	[tilespmem:s12], [sflag:$0x3] =	stream.linear.gather [hbm4b:s0+s12], $0x200, $0x38;
	[tilespmem:$0x10700] =	vst v63  }
0x16: {  	_ =	swait.ge [sflag:s1], $0x200  }
0x17: {  	[sflag:s1] =	ssyncset.done $0x0  }
0x18: {  	s16 =	simm.s32 $0x280;
	s9 =	rddreg [dreg:$0x8];
	[sflag:s1] =	ssyncadd.s32 $0xFFFFFE00  }
0x19: {  	[tilespmem:s16], [sflag:$0x3] =	stream.linear.gather [hbm4b:s9+s12], $0x200, $0x38;
	[tilespmem:$0x10700] =	vst v63  }
0x1a: {  	_ =	swait.ge [sflag:s1], $0x200  }
0x1b: {  	[sflag:s1] =	ssyncset.done $0x0  }
0x1c: {  	[sflag:s1] =	ssyncadd.s32 $0xFFFFFE00  }
0x1d: {  	v3 =	vld [tilespmem:$0x0];
	_ =	sdelay $0x1  }
0x1e: {  	v4 =	vld [tilespmem:$0x280];
	_ =	sdelay $0x2  }
0x1f: {  	(v2sf) =	vpush v3, $0x0;
	_ =	sdelay $0x1  }
0x20: {  	(v2sf) =	vpush v4, $0x0;
	_ =	sdelay $0x2  }
0x21: {  	(v2sf) =	vpush v3, $0x1;
	_ =	sdelay $0x2  }
0x22: {  	(v2sf) =	vpush v4, $0x1;
	_ =	sdelay $0x2  }
0x23: {  	(v2sf) =	vpush v3, $0x2;
	_ =	sdelay $0x2  }
0x24: {  	(v2sf) =	vpush v4, $0x2  }
0x25: {  	s21 =	spop (v2sf)  }
0x26: {  	s0 =	sand.u32 $0xFFFFF80, s21  }
0x27: {  	(v2sf) =	vpush v3, $0x3;
	s22 =	spop (v2sf);
	s0 =	sadd.s32 s26, s0  }
0x28: {  	[tilespmem:s29], [sflag:$0x1] =	stream.strided.gather [hbm4b:s0+s28], $0x1000, s10, s28, $0x38;
	[tilespmem:$0x10700] =	vst v63  }
0x29: {  	s0 =	sand.u32 $0xFFFFF80, s22  }
0x2a: {  	(v2sf) =	vpush v4, $0x3;
	s23 =	spop (v2sf);
	s0 =	sadd.s32 s11, s0  }
0x2b: {  	[tilespmem:s3], [sflag:$0x1] =	stream.strided.gather [hbm4b:s0+s28], $0x1000, s10, s28, $0x38;
	[tilespmem:$0x10700] =	vst v63  }
0x2c: {  	s0 =	sand.u32 $0xFFFFF80, s23  }
0x2d: {  	s24 =	spop (v2sf);
	s0 =	sadd.s32 s26, s0  }
0x2e: {  	[tilespmem:s25], [sflag:$0x1] =	stream.strided.gather [hbm4b:s0+s28], $0x1000, s10, s28, $0x38;
	[tilespmem:$0x10700] =	vst v63  }
0x2f: {  	s0 =	sand.u32 $0xFFFFF80, s24  }
0x30: {  	s25 =	spop (v2sf);
	s0 =	sadd.s32 s11, s0  }
0x31: {  	[tilespmem:s4], [sflag:$0x1] =	stream.strided.gather [hbm4b:s0+s28], $0x1000, s10, s28, $0x38;
	[tilespmem:$0x10700] =	vst v63  }
0x32: {  	s0 =	sand.u32 $0xFFFFF80, s25  }
0x33: {  	s1 =	spop (v2sf);
	s0 =	sadd.s32 s26, s0  }
0x34: {  	[tilespmem:s5], [sflag:$0x1] =	stream.strided.gather [hbm4b:s0+s28], $0x1000, s10, s28, $0x38;
	[tilespmem:$0x10700] =	vst v63  }
0x35: {  	s0 =	sand.u32 $0xFFFFF80, s1  }
0x36: {  	s2 =	spop (v2sf);
	s0 =	sadd.s32 s11, s0  }
0x37: {  	[tilespmem:s6], [sflag:$0x1] =	stream.strided.gather [hbm4b:s0+s28], $0x1000, s10, s28, $0x38;
	[tilespmem:$0x10700] =	vst v63  }
0x38: {  	s0 =	sand.u32 $0xFFFFF80, s2  }
0x39: {  	s3 =	spop (v2sf);
	s0 =	sadd.s32 s26, s0  }
0x3a: {  	[tilespmem:s7], [sflag:$0x1] =	stream.strided.gather [hbm4b:s0+s28], $0x1000, s10, s28, $0x38;
	[tilespmem:$0x10700] =	vst v63  }
0x3b: {  	s0 =	sand.u32 $0xFFFFF80, s3  }
0x3c: {  	s4 =	simm.s32 $0x0;
	s0 =	sadd.s32 s11, s0  }
0x3d: {  	[tilespmem:s8], [sflag:$0x1] =	stream.strided.gather [hbm4b:s0+s28], $0x1000, s10, s28, $0x38;
	[tilespmem:$0x10700] =	vst v63  }
0x3e: {  	v3 =	vld [tilespmem:s4+$0x280];
	_ =	sdelay $0x1  }
0x3f: {  	v4 =	vld [tilespmem:s4+$0x0];
	_ =	sdelay $0x2  }
0x40: {  	(v2sf) =	vpush v3, $0x4  }
0x41: {  	(v2sf) =	vpush v3, $0x5  }
0x42: {  	(v2sf) =	vpush v4, $0x4  }
0x43: {  	(v2sf) =	vpush v4, $0x5  }
0x44: {  	(v2sf) =	vpush v4, $0x0;
	_ =	sdelay $0x1  }
0x45: {  	(v2sf) =	vpush v4, $0x6;
	_ =	sdelay $0x1  }
0x46: {  	(v2sf) =	vpush v3, $0x6;
	_ =	sdelay $0x1  }
0x47: {  	(v2sf) =	vpush v4, $0x7;
	_ =	sdelay $0x1  }
0x48: {  	(v2sf) =	vpush v3, $0x7;
	_ =	sdelay $0x1  }
0x49: {  	(v2sf) =	vpush v4, $0x3  }
0x4a: {  	s5 =	spop (v2sf)  }
0x4b: {  	p0 =	por $0x0, $0x0;
	(v2sf) =	vpush v3, $0x0;
	s8 =	spop (v2sf)  }
0x4c: {  	s25 =	simm.s32 $0xE500;
	[dreg:$0xc] =	wrdreg s5;
	s6 =	spop (v2sf)  }
0x4d: {  	(v2sf) =	vpush v3, $0x2;
	s7 =	sand.u32 $0xFFFFF80, s5;
	s9 =	spop (v2sf);
	s2 =	sand.u32 $0xFFFFF80, s6  }
0x4e: {  	s1 =	sadd.s32 s11, s7;
	s16 =	spop (v2sf);
	s2 =	sadd.s32 s26, s2  }
0x4f: {  	[tilespmem:s13], [sflag:$0x2] =	stream.strided.gather [hbm4b:s2+s28], $0x1000, s10, s28, $0x38;
	[tilespmem:$0x10700] =	vst v63  }
0x50: {  	(v2sf) =	vpush v4, $0x2;
	[dreg:$0xd] =	wrdreg s6;
	s13 =	sand.u32 $0xFFFFF80, s9;
	s4 =	spop (v2sf)  }
0x51: {  	(v2sf) =	vpush v3, $0x1;
	[tilespmem:s14], [sflag:$0x2] =	stream.strided.gather [hbm4b:s1+s28], $0x1000, s10, s28, $0x38;
	[tilespmem:$0x10700] =	vst v63  }
0x52: {  	(v2sf) =	vpush v4, $0x1;
	s2 =	sadd.s32 s26, s13;
	s7 =	spop (v2sf);
	s14 =	sand.u32 $0xFFFFF80, s8  }
0x53: {  	[tilespmem:s18], [sflag:$0x2] =	stream.strided.gather [hbm4b:s2+s28], $0x1000, s10, s28, $0x38;
	[tilespmem:$0x10700] =	vst v63  }
0x54: {  	(v2sf) =	vpush v3, $0x3;
	s5 =	spop (v2sf);
	s1 =	sadd.s32 s11, s14;
	s18 =	sand.u32 $0xFFFFF80, s4  }
0x55: {  	(v2sf) =	vpush @!p0 v4, $0x8;
	[tilespmem:s19], [sflag:$0x2] =	stream.strided.gather [hbm4b:s1+s28], $0x1000, s10, s28, $0x38;
	[tilespmem:$0x10700] =	vst v63  }
0x56: {  	s22 =	sand.u32 $0xFFFFF80, s7;
	(v2sf) =	vpush @!p0 v3, $0x8;
	s6 =	spop (v2sf);
	s21 =	sadd.s32 s26, s18  }
0x57: {  	[tilespmem:s20], [sflag:$0x2] =	stream.strided.gather [hbm4b:s21+s28], $0x1000, s10, s28, $0x38;
	[tilespmem:$0x10700] =	vst v63  }
0x58: {  	s23 =	sadd.s32 s11, s22;
	s24 =	sand.u32 $0xFFFFF80, s5;
	(v2sf) =	vpush @!p0 v4, $0x9;
	s19 =	spop (v2sf)  }
0x59: {  	(v2sf) =	vpush @!p0 v3, $0x9;
	[tilespmem:s25], [sflag:$0x2] =	stream.strided.gather [hbm4b:s23+s28], $0x1000, s10, s28, $0x38;
	[tilespmem:$0x10700] =	vst v63  }
0x5a: {  	s13 =	sadd.s32 s26, s24;
	s14 =	sand.u32 $0xFFFFF80, s6;
	(v2sf) =	vpush @!p0 v4, $0xA;
	s20 =	spop (v2sf)  }
0x5b: {  	(v2sf) =	vpush @!p0 v3, $0xA;
	[tilespmem:s15], [sflag:$0x2] =	stream.strided.gather [hbm4b:s13+s28], $0x1000, s10, s28, $0x38;
	[tilespmem:$0x10700] =	vst v63  }
0x5c: {  	s18 =	sadd.s32 s11, s14;
	(v2sf) =	vpush @!p0 v4, $0xB;
	s21 =	spop (v2sf)  }
0x5d: {  	(v2sf) =	vpush @!p0 v3, $0xB;
	[tilespmem:s17], [sflag:$0x2] =	stream.strided.gather [hbm4b:s18+s28], $0x1000, s10, s28, $0x38;
	[tilespmem:$0x10700] =	vst v63  }
0x5e: {  	_ =	swait.ge [sflag:s30], $0x1000  }
0x5f: {  	s22 =	spop (v2sf)  }
0x60: {  	[sflag:s30] =	ssyncset.done $0x0;
	s23 =	spop (v2sf)  }
0x61: {  	[sflag:s30] =	ssyncadd.s32 $0xFFFFF000;
	s24 =	spop (v2sf)  }
0x62: {  	_ =	swait.ge [sflag:s30], $0x1000  }
0x63: {  	s25 =	spop (v2sf)  }
0x64: {  	[sflag:s30] =	ssyncset.done $0x0;
	s18 =	spop @!p0 (v2sf)  }
0x65: {  	[sflag:s30] =	ssyncadd.s32 $0xFFFFF000;
	s17 =	spop @!p0 (v2sf)  }
0x66: {  	_ =	swait.ge [sflag:s30], $0x1000  }
0x67: {  	s15 =	spop @!p0 (v2sf)  }
0x68: {  	[sflag:s30] =	ssyncset.done $0x0;
	s2 =	spop @!p0 (v2sf)  }
0x69: {  	[sflag:s30] =	ssyncadd.s32 $0xFFFFF000;
	s1 =	spop @!p0 (v2sf)  }
0x6a: {  	_ =	swait.ge [sflag:s30], $0x1000  }
0x6b: {  	s14 =	spop @!p0 (v2sf)  }
0x6c: {  	[sflag:s30] =	ssyncset.done $0x0;
	s13 =	spop @!p0 (v2sf)  }
0x6d: {  	[sflag:s30] =	ssyncadd.s32 $0xFFFFF000;
	s10 =	spop @!p0 (v2sf)  }
0x6e: {  	_ =	swait.ge [sflag:s30], $0x1000  }
0x6f: {  	[sflag:s30] =	ssyncset.done $0x0  }
0x70: {  	[sflag:s30] =	ssyncadd.s32 $0xFFFFF000  }
0x71: {  	_ =	swait.ge [sflag:s30], $0x1000  }
0x72: {  	[sflag:s30] =	ssyncset.done $0x0  }
0x73: {  	[sflag:s30] =	ssyncadd.s32 $0xFFFFF000  }
0x74: {  	s16 =	sand.u32 $0x7F, s16;
	_ =	swait.ge [sflag:s30], $0x1000  }
0x75: {  	s19 =	sand.u32 $0x7F, s19;
	v3 =	vor.u32 s16, v1;
	[sflag:s30] =	ssyncset.done $0x0  }
0x76: {  	s20 =	sand.u32 $0x7F, s20;
	v4 =	vor.u32 s19, v2;
	[sflag:s30] =	ssyncadd.s32 $0xFFFFF000  }
0x77: {  	v5 =	vor.u32 s20, v1;
	_ =	swait.ge [sflag:s30], $0x1000  }
0x78: {  	v6 =	vor.u32 s20, v2;
	s21 =	sand.u32 $0x7F, s21;
	[sflag:s30] =	ssyncset.done $0x0  }
0x79: {  	v7 =	vor.u32 s21, v2;
	[sflag:s30] =	ssyncadd.s32 $0xFFFFF000  }
0x7a: {  	v8 =	vor.u32 s21, v1;
	s21 =	sand.u32 $0x7F, s22;
	s22 =	simm.s32 $0x3500;
	v3 =	vld.idx.msk [tilespmem:v3+s29+$0x0], $0xffff  }
0x7b: {  	s20 =	simm.s32 $0x4500;
	v9 =	vor.u32 s21, v2;
	s23 =	sand.u32 $0x7F, s23;
	v4 =	vld.idx.msk [tilespmem:v4+s22+$0x0], $0xffff  }
0x7c: {  	v10 =	vor.u32 s21, v1;
	v11 =	vor.u32 s23, v2;
	v12 =	vor.u32 s23, v1;
	s23 =	sand.u32 $0x7F, s24;
	v5 =	vld.idx.msk [tilespmem:v5+s20+$0x0], $0xffff  }
0x7d: {  	s0 =	simm.s32 $0x6500;
	v13 =	vor.u32 s23, v1;
	v6 =	vld.idx.msk [tilespmem:v6+s20+$0x0], $0xffff  }
0x7e: {  	v14 =	vor.u32 s19, v1;
	s24 =	sand.u32 $0x7F, s25;
	v7 =	vld.idx.msk [tilespmem:v7+s0+$0x0], $0xffff  }
0x7f: {  	s3 =	simm.s32 $0x2500;
	v15 =	vor.u32 s24, v1;
	v8 =	vld.idx.msk [tilespmem:v8+s0+$0x0], $0xffff  }
0x80: {  	v16 =	vor.u32 s23, v2;
	v9 =	vld.idx.msk [tilespmem:v9+s3+$0x0], $0xffff  }
0x81: {  	s25 =	simm.s32 $0x1500;
	v17 =	vor.u32 s24, v2;
	v10 =	vld.idx.msk [tilespmem:v10+s3+$0x0], $0xffff  }
0x82: {  	v13 =	vld.idx.msk [tilespmem:v13+s25+$0x0], $0xffff  }
0x83: {  	s23 =	simm.s32 $0x7500;
	v14 =	vld.idx.msk [tilespmem:v14+s22+$0x0], $0xffff  }
0x84: {  	v18 =	vor.u32 s16, v2;
	v15 =	vld.idx.msk [tilespmem:v15+s23+$0x0], $0xffff  }
0x85: {  	v16 =	vld.idx.msk [tilespmem:v16+s25+$0x0], $0xffff  }
0x86: {  	s20 =	simm.s32 $0x5500;
	v17 =	vld.idx.msk [tilespmem:v17+s23+$0x0], $0xffff  }
0x87: {  	s19 =	simm.s32 @!p0 $0x400;
	s16 =	sand.u32 @!p0 $0xFFFFF80, s18;
	v11 =	vld.idx.msk [tilespmem:v11+s20+$0x0], $0xffff  }
0x88: {  	s18 =	simm.s32 @!p0 $0x500;
	s16 =	sadd.s32 @!p0 s26, s16;
	v12 =	vld.idx.msk [tilespmem:v12+s20+$0x0], $0xffff;
	s20 =	simm.s32 @!p0 $0x7A1400  }
0x89: {  	v18 =	vld.idx.msk [tilespmem:v18+s29+$0x0], $0xffff;
	[tilespmem:s18], [sflag:$0x1] =	stream.strided.gather @!p0 [hbm4b:s16+s19], $0x1000, s20, s19, $0x38  }
0x8a: {  	s16 =	sand.u32 @!p0 $0xFFFFF80, s17  }
0x8b: {  	s15 =	sand.u32 @!p0 $0xFFFFF80, s15;
	s17 =	simm.s32 @!p0 $0x4500;
	s16 =	sadd.s32 @!p0 s11, s16  }
0x8c: {  	[tilespmem:s17], [sflag:$0x1] =	stream.strided.gather @!p0 [hbm4b:s16+s19], $0x1000, s20, s19, $0x38;
	[tilespmem:$0x10700] =	vst v63  }
0x8d: {  	s15 =	sadd.s32 @!p0 s26, s15;
	s2 =	sand.u32 @!p0 $0xFFFFF80, s2;
	s16 =	simm.s32 @!p0 $0x1500;
	v7 =	vmul.f32 v7, v9;
	v8 =	vmul.f32 v8, v10  }
0x8e: {  	[tilespmem:s16], [sflag:$0x1] =	stream.strided.gather @!p0 [hbm4b:s15+s19], $0x1000, s20, s19, $0x38;
	[tilespmem:$0x10700] =	vst v63  }
0x8f: {  	s2 =	sadd.s32 @!p0 s11, s2;
	s1 =	sand.u32 @!p0 $0xFFFFF80, s1;
	s15 =	simm.s32 @!p0 $0x5500;
	v7 =	vadd.f32 v7, v8  }
0x90: {  	v9 =	vmul.f32 v11, v16;
	v8 =	vmul.f32 v12, v13;
	[tilespmem:s15], [sflag:$0x1] =	stream.strided.gather @!p0 [hbm4b:s2+s19], $0x1000, s20, s19, $0x38;
	[tilespmem:$0x10700] =	vst v63  }
0x91: {  	s1 =	sadd.s32 @!p0 s26, s1;
	s2 =	simm.s32 @!p0 $0x2500;
	(xrf2) =	vadd.scan.msk.f32 $0xffff, v7  }
0x92: {  	v7 =	vadd.f32 v9, v8;
	[tilespmem:s2], [sflag:$0x1] =	stream.strided.gather @!p0 [hbm4b:s1+s19], $0x1000, s20, s19, $0x38;
	[tilespmem:$0x10700] =	vst v63  }
0x93: {  	v3 =	vmul.f32 v5, v3;
	v5 =	vmul.f32 v6, v18;
	s1 =	sand.u32 @!p0 $0xFFFFF80, s14  }
0x94: {  	s2 =	simm.s32 @!p0 $0x6500;
	(xrf2) =	vadd.scan.msk.f32 $0xffff, v7;
	s1 =	sadd.s32 @!p0 s11, s1  }
0x95: {  	v4 =	vmul.f32 v17, v4;
	v3 =	vadd.f32 v5, v3;
	v5 =	vmul.f32 v15, v14;
	[tilespmem:s2], [sflag:$0x1] =	stream.strided.gather @!p0 [hbm4b:s1+s19], $0x1000, s20, s19, $0x38;
	[tilespmem:$0x10700] =	vst v63  }
0x96: {  	s1 =	sand.u32 @!p0 $0xFFFFF80, s13  }
0x97: {  	(xrf2) =	vadd.scan.msk.f32 $0xffff, v3;
	s2 =	simm.s32 @!p0 $0x3500;
	v3 =	vadd.f32 v4, v5;
	s1 =	sadd.s32 @!p0 s26, s1  }
0x98: {  	[tilespmem:s2], [sflag:$0x1] =	stream.strided.gather @!p0 [hbm4b:s1+s19], $0x1000, s20, s19, $0x38;
	[tilespmem:$0x10700] =	vst v63  }
0x99: {  	s1 =	sand.u32 @!p0 $0xFFFFF80, s10  }
0x9a: {  	s2 =	simm.s32 @!p0 $0x7500;
	(xrf2) =	vadd.scan.msk.f32 $0xffff, v3;
	s1 =	sadd.s32 @!p0 s11, s1  }
0x9b: {  	[tilespmem:s2], [sflag:$0x1] =	stream.strided.gather @!p0 [hbm4b:s1+s19], $0x1000, s20, s19, $0x38;
	v3, _, _ =	vpop (xrf2);
	[tilespmem:$0x10700] =	vst v63  }
0x9c: {  	_ =	swait.ge [sflag:s31], $0x1000  }
0x9d: {  	[sflag:s31] =	ssyncset.done $0x0  }
0x9e: {  	v10, _, _ =	vpop (xrf2);
	[sflag:s31] =	ssyncadd.s32 $0xFFFFF000  }
0x9f: {  	_ =	swait.ge [sflag:s31], $0x1000  }
0xa0: {  	[sflag:s31] =	ssyncset.done $0x0  }
0xa1: {  	v12, _, _ =	vpop (xrf2);
	[sflag:s31] =	ssyncadd.s32 $0xFFFFF000  }
0xa2: {  	_ =	swait.ge [sflag:s31], $0x1000  }
0xa3: {  	[sflag:s31] =	ssyncset.done $0x0  }
0xa4: {  	v4, _, _ =	vpop (xrf2);
	[sflag:s31] =	ssyncadd.s32 $0xFFFFF000  }
0xa5: {  	_ =	swait.ge [sflag:s31], $0x1000  }
0xa6: {  	[sflag:s31] =	ssyncset.done $0x0  }
0xa7: {  	[sflag:s31] =	ssyncadd.s32 $0xFFFFF000  }
0xa8: {  	_ =	swait.ge [sflag:s31], $0x1000  }
0xa9: {  	[sflag:s31] =	ssyncset.done $0x0  }
0xaa: {  	[sflag:s31] =	ssyncadd.s32 $0xFFFFF000  }
0xab: {  	_ =	swait.ge [sflag:s31], $0x1000  }
0xac: {  	[sflag:s31] =	ssyncset.done $0x0  }
0xad: {  	[sflag:s31] =	ssyncadd.s32 $0xFFFFF000  }
0xae: {  	s24 =	sand.u32 $0x7F, s4;
	_ =	swait.ge [sflag:s31], $0x1000  }
0xaf: {  	s25 =	sand.u32 $0x7F, s8;
	v6 =	vor.u32 s24, v2;
	[sflag:s31] =	ssyncset.done $0x0  }
0xb0: {  	s9 =	sand.u32 $0x7F, s9;
	s4 =	sand.u32 $0x1, s12;
	v13 =	vor.u32 s25, v2;
	[sflag:s31] =	ssyncadd.s32 $0xFFFFF000  }
0xb1: {  	v22 =	vimm.f32 $0.0e+00;
	s29 =	sshll.u32 s4, $0x3;
	v15 =	vor.u32 s9, v1;
	_ =	swait.ge [sflag:s31], $0x1000  }
0xb2: {  	v20 =	vor.u32 s9, v2;
	v19 =	vor.u32 s24, v1;
	s3 =	sor.u32 $0x2, s29;
	s17 =	sand.u32 $0x7F, s7;
	v17 =	vor.u32 s25, v1;
	[sflag:s31] =	ssyncset.done $0x0  }
0xb3: {  	s0 =	sor.u32 $0x1, s29;
	v18 =	vmov s29;
	v23 =	vor.u32 s17, v1;
	v16 =	vmov s3;
	s20 =	simm.s32 $0xA500;
	[sflag:s31] =	ssyncadd.s32 $0xFFFFF000  }
0xb4: {  	vm0 =	veq.s32 v18, v0;
	v18 =	vor.u32 s17, v2;
	v14 =	vmov s0;
	s19 =	simm.s32 $0xD500;
	v11 =	vld.idx.msk [tilespmem:v6+s20+$0x0], $0xffff  }
0xb5: {  	s12 =	sor.u32 $0x3, s29;
	s18 =	simm.s32 $0x9500;
	vm15 =	veq.s32 v16, v0;
	vm14 =	veq.s32 v14, v0;
	s14 =	sor.u32 $0x4, s29;
	v21 =	vbroadcast v12, $0xF;
	v12 =	vld.idx.msk [tilespmem:v13+s19+$0x0], $0xffff  }
0xb6: {  	s16 =	sor.u32 $0x6, s29;
	v8 =	vmov s12;
	v9 =	vmov s14;
	v10 =	vbroadcast v10, $0xF;
	s22 =	rddreg [dreg:$0xc];
	v13 =	vld.idx.msk [tilespmem:v15+s18+$0x0], $0xffff  }
0xb7: {  	s21 =	sor.u32 $0x7, s29;
	s15 =	sor.u32 $0x5, s29;
	v7 =	vmov s16;
	s24 =	rddreg [dreg:$0xd];
	v15 =	vsel vm0, v21, v22;
	v21 =	vbroadcast v3, $0xF;
	v14 =	vld.idx.msk [tilespmem:v17+s19+$0x0], $0xffff  }
0xb8: {  	s29 =	simm.s32 $0xE500;
	v5 =	vmov s15;
	s23 =	sand.u32 $0x7F, s22;
	s25 =	sand.u32 $0x7F, s24;
	v6 =	vmov s21;
	v16 =	vld.idx.msk [tilespmem:v20+s18+$0x0], $0xffff;
	v10 =	vsel vm14, v10, v15  }
0xb9: {  	s8 =	sand.u32 $0x7F, s5;
	s5 =	simm.s32 $0x0;
	v3 =	vor.u32 s23, v1;
	v17 =	vld.idx.msk [tilespmem:v23+s29+$0x0], $0xffff;
	v10 =	vsel vm15, v21, v10;
	v21 =	vor.u32 s25, v1  }
0xba: {  	s0 =	simm.s32 $0x20;
	s14 =	sand.u32 $0x7F, s6;
	s6 =	simm.s32 $0x0;
	v22 =	vor.u32 s25, v2;
	v20 =	vor.u32 s8, v1;
	v15 =	vld.idx.msk [tilespmem:v19+s20+$0x0], $0xffff;
	v19 =	vor.u32 s23, v2  }
.LBB2_2:
0xbb: {  	_ = 	snop  }
0xbc: {  	s1 =	simm.s32 $0xE500  }
0xbd: {  	s12 =	simm.s32 $0x8500;
	v18 =	vld.idx.msk [tilespmem:v18+s1+$0x0], $0xffff  }
0xbe: {  	v23 =	vor.u32 s8, v2;
	v21 =	vld.idx.msk [tilespmem:v21+s12+$0x0], $0xffff  }
0xbf: {  	s17 =	simm.s32 $0xC500;
	v24 =	vor.u32 s14, v2;
	v22 =	vld.idx.msk [tilespmem:v22+s12+$0x0], $0xffff  }
0xc0: {  	v19 =	vld.idx.msk [tilespmem:v19+s17+$0x0], $0xffff;
	v13 =	vmul.f32 v14, v13;
	v14 =	vor.u32 s14, v1  }
0xc1: {  	s22 =	simm.s32 $0xB500;
	v3 =	vld.idx.msk [tilespmem:v3+s17+$0x0], $0xffff;
	v12 =	vmul.f32 v12, v16  }
0xc2: {  	v16 =	vld.idx.msk [tilespmem:v20+s22+$0x0], $0xffff;
	v15 =	vmul.f32 v17, v15;
	v11 =	vmul.f32 v18, v11  }
0xc3: {  	s23 =	simm.s32 $0xF500;
	v12 =	vadd.f32 v12, v13;
	v13 =	vld.idx.msk [tilespmem:v23+s22+$0x0], $0xffff  }
0xc4: {  	v11 =	vadd.f32 v11, v15;
	v15 =	vld.idx.msk [tilespmem:v24+s23+$0x0], $0xffff  }
0xc5: {  	v14 =	vld.idx.msk [tilespmem:v14+s23+$0x0], $0xffff  }
0xc6: {  	(xrf2) =	vadd.scan.msk.f32 $0xffff, v11;
	_ =	sdelay $0x1  }
0xc7: {  	v3 =	vmul.f32 v3, v21;
	v11 =	vmul.f32 v19, v22;
	_ =	sdelay $0x1  }
0xc8: {  	v3 =	vadd.f32 v11, v3;
	v13 =	vmul.f32 v15, v13;
	v11 =	vmul.f32 v14, v16;
	_ =	sdelay $0x1  }
0xc9: {  	(xrf2) =	vadd.scan.msk.f32 $0xffff, v3;
	v3 =	vadd.f32 v13, v11;
	_ =	sdelay $0x2  }
0xca: {  	(xrf2) =	vadd.scan.msk.f32 $0xffff, v3  }
0xcb: {  	v3, _, _ =	vpop (xrf2);
	(xrf2) =	vadd.scan.msk.f32 $0xffff, v12;
	_ =	sdelay $0x7  }
0xcc: {  	v11, _, _ =	vpop (xrf2)  }
0xcd: {  	v4 =	vbroadcast v4, $0xF;
	v12, _, _ =	vpop (xrf2)  }
0xce: {  	vm0 =	veq.s32 v8, v0;
	v11 =	vbroadcast v11, $0xF;
	v8 =	vbroadcast v12, $0xF;
	v12, _, _ =	vpop (xrf2)  }
0xcf: {  	vm9 =	veq.s32 v9, v0;
	v4 =	vsel vm0, v4, v10;
	v9 =	vbroadcast v12, $0xF  }
0xd0: {  	vm10 =	veq.s32 v5, v0;
	v3 =	vbroadcast v3, $0xF;
	v4 =	vsel vm9, v11, v4  }
0xd1: {  	vm11 =	veq.s32 v7, v0;
	p1 =	seq.s32 s4, $0x0;
	v4 =	vsel vm10, v9, v4  }
0xd2: {  	vm12 =	veq.s32 v6, v0;
	s2 =	sand.u32 @!p1 $0x7C0, s6;
	v3 =	vsel vm11, v3, v4  }
0xd3: {  	s3 =	smov.u32 s0;
	s2 =	sshrl.u32 @!p1 s2, $0x2;
	v3 =	vsel vm12, v8, v3  }
0xd4: {  	s25 =	sshra.s32 s3, $0x2;
	[tilespmem:s2+$0x10500] =	vst @!p1 v3  }
0xd5: {  	v5 =	vld [tilespmem:s25+$0x280];
	_ =	sdelay $0x2  }
0xd6: {  	v6 =	vld [tilespmem:s25+$0x0];
	_ =	sdelay $0x1  }
0xd7: {  	(v2sf) =	vpush v5, $0x4;
	_ =	sdelay $0x1  }
0xd8: {  	(v2sf) =	vpush v5, $0x5  }
0xd9: {  	(v2sf) =	vpush v6, $0x4  }
0xda: {  	(v2sf) =	vpush v6, $0x5  }
0xdb: {  	(v2sf) =	vpush v6, $0x0  }
0xdc: {  	(v2sf) =	vpush v6, $0x6;
	_ =	sdelay $0x1  }
0xdd: {  	(v2sf) =	vpush v5, $0x6;
	_ =	sdelay $0x3  }
0xde: {  	(v2sf) =	vpush v6, $0x7;
	_ =	sdelay $0x1  }
0xdf: {  	(v2sf) =	vpush v5, $0x7  }
0xe0: {  	s6 =	smov.u32 s3;
	s3 =	spop (v2sf)  }
0xe1: {  	(v2sf) =	vpush v6, $0x3;
	s8 =	sand.u32 $0x7F, s3  }
0xe2: {  	s4 =	sand.u32 $0xFFFFF80, s3;
	s9 =	spop (v2sf);
	[dreg:$0x6] =	wrdreg s8  }
0xe3: {  	s7 =	sand.u32 $0x7F, s9;
	s15 =	spop (v2sf);
	(v2sf) =	vpush v5, $0x0;
	s2 =	sadd.s32 s11, s4  }
0xe4: {  	s1 =	sand.u32 $0xFFFFF80, s9;
	s3 =	spop (v2sf);
	s10 =	sand.u32 $0xFFFFF80, s15  }
0xe5: {  	s13 =	sand.u32 $0xFFFFF80, s3;
	s9 =	spop (v2sf);
	(v2sf) =	vpush v5, $0x2;
	s4 =	sadd.s32 s26, s10  }
0xe6: {  	v4 =	vpsel !p1, $0x0, v3;
	v3 =	vor.u32 s8, v1;
	s10 =	simm.s32 $0x7A1400;
	s8 =	sadd.s32 s26, s13;
	s13 =	spop (v2sf)  }
0xe7: {  	[tilespmem:s12], [sflag:$0x2] =	stream.strided.gather [hbm4b:s4+s28], $0x1000, s10, s28, $0x38;
	[tilespmem:$0x10700] =	vst v63  }
0xe8: {  	(v2sf) =	vpush v6, $0x2;
	s16 =	spop (v2sf)  }
0xe9: {  	(v2sf) =	vpush v5, $0x1;
	[tilespmem:s17], [sflag:$0x2] =	stream.strided.gather [hbm4b:s2+s28], $0x1000, s10, s28, $0x38;
	[tilespmem:$0x10700] =	vst v63  }
0xea: {  	s21 =	simm.s32 $0xE500;
	p1 =	seq.s32 s6, $0x7E0;
	(v2sf) =	vpush v6, $0x1  }
0xeb: {  	[tilespmem:s18], [sflag:$0x2] =	stream.strided.gather [hbm4b:s8+s28], $0x1000, s10, s28, $0x38;
	[tilespmem:$0x10700] =	vst v63  }
0xec: {  	s1 =	sadd.s32 s11, s1;
	s14 =	sand.u32 $0xFFFFF80, s13;
	s17 =	spop (v2sf);
	(v2sf) =	vpush v5, $0x3  }
0xed: {  	(v2sf) =	vpush @!p1 v6, $0x8;
	[tilespmem:s19], [sflag:$0x2] =	stream.strided.gather [hbm4b:s1+s28], $0x1000, s10, s28, $0x38;
	[tilespmem:$0x10700] =	vst v63  }
0xee: {  	s2 =	sadd.s32 s26, s14;
	s24 =	sand.u32 $0xFFFFF80, s16;
	s14 =	spop (v2sf);
	(v2sf) =	vpush @!p1 v5, $0x8  }
0xef: {  	[tilespmem:s20], [sflag:$0x2] =	stream.strided.gather [hbm4b:s2+s28], $0x1000, s10, s28, $0x38;
	[tilespmem:$0x10700] =	vst v63  }
0xf0: {  	s25 =	sand.u32 $0xFFFFF80, s17;
	s8 =	sadd.s32 s11, s24;
	(v2sf) =	vpush @!p1 v6, $0x9;
	s24 =	spop (v2sf)  }
0xf1: {  	(v2sf) =	vpush @!p1 v5, $0x9;
	[tilespmem:s21], [sflag:$0x2] =	stream.strided.gather [hbm4b:s8+s28], $0x1000, s10, s28, $0x38;
	[tilespmem:$0x10700] =	vst v63  }
0xf2: {  	s12 =	sadd.s32 s26, s25;
	s19 =	sand.u32 $0xFFFFF80, s14;
	(v2sf) =	vpush @!p1 v6, $0xA;
	s25 =	spop (v2sf)  }
0xf3: {  	(v2sf) =	vpush @!p1 v5, $0xA;
	[tilespmem:s22], [sflag:$0x2] =	stream.strided.gather [hbm4b:s12+s28], $0x1000, s10, s28, $0x38;
	[tilespmem:$0x10700] =	vst v63  }
0xf4: {  	s20 =	sadd.s32 s11, s19;
	(v2sf) =	vpush @!p1 v6, $0xB;
	s8 =	spop (v2sf)  }
0xf5: {  	(v2sf) =	vpush @!p1 v5, $0xB;
	[tilespmem:s23], [sflag:$0x2] =	stream.strided.gather [hbm4b:s20+s28], $0x1000, s10, s28, $0x38;
	[tilespmem:$0x10700] =	vst v63  }
0xf6: {  	_ =	swait.ge [sflag:s30], $0x1000  }
0xf7: {  	s22 =	spop (v2sf)  }
0xf8: {  	s4 =	sand.u32 $0x7F, s9;
	[sflag:s30] =	ssyncset.done $0x0;
	s1 =	spop (v2sf)  }
0xf9: {  	s9 =	sand.u32 $0x7F, s13;
	[sflag:s30] =	ssyncadd.s32 $0xFFFFF000;
	s23 =	spop (v2sf)  }
0xfa: {  	s13 =	sand.u32 $0x7F, s16;
	s21 =	sand.u32 $0x7F, s24;
	_ =	swait.ge [sflag:s30], $0x1000  }
0xfb: {  	s12 =	smov.u32 s11;
	s11 =	smov.u32 s26;
	s24 =	spop (v2sf)  }
0xfc: {  	[sflag:s30] =	ssyncset.done $0x0;
	s26 =	sand.u32 $0x7F, s24;
	s16 =	spop @!p1 (v2sf)  }
0xfd: {  	[sflag:s30] =	ssyncadd.s32 $0xFFFFF000;
	s24 =	sand.u32 @!p1 $0xFFFFF80, s16;
	s16 =	spop @!p1 (v2sf)  }
0xfe: {  	s29 =	sand.u32 $0x7F, s25;
	s28 =	sand.u32 $0x7F, s22;
	_ =	swait.ge [sflag:s30], $0x1000  }
0xff: {  	s25 =	sand.u32 $0x7F, s23;
	s23 =	sand.u32 @!p1 $0xFFFFF80, s16;
	s16 =	spop @!p1 (v2sf)  }
0x100: {  	[sflag:s30] =	ssyncset.done $0x0;
	s22 =	sand.u32 @!p1 $0xFFFFF80, s16;
	s16 =	spop @!p1 (v2sf)  }
0x101: {  	[sflag:s30] =	ssyncadd.s32 $0xFFFFF000;
	s20 =	sand.u32 @!p1 $0xFFFFF80, s16;
	s16 =	spop @!p1 (v2sf)  }
0x102: {  	s10 =	sand.u32 $0x7F, s8;
	_ =	swait.ge [sflag:s30], $0x1000  }
0x103: {  	s8 =	sand.u32 $0x7F, s17;
	s19 =	sand.u32 @!p1 $0xFFFFF80, s16;
	s16 =	spop @!p1 (v2sf)  }
0x104: {  	[sflag:s30] =	ssyncset.done $0x0;
	s18 =	sand.u32 @!p1 $0xFFFFF80, s16;
	s16 =	spop @!p1 (v2sf)  }
0x105: {  	[sflag:s30] =	ssyncadd.s32 $0xFFFFF000;
	s17 =	sand.u32 @!p1 $0xFFFFF80, s16;
	s16 =	spop @!p1 (v2sf)  }
0x106: {  	_ =	swait.ge [sflag:s30], $0x1000  }
0x107: {  	[sflag:s30] =	ssyncset.done $0x0  }
0x108: {  	[sflag:s30] =	ssyncadd.s32 $0xFFFFF000  }
0x109: {  	_ =	swait.ge [sflag:s30], $0x1000  }
0x10a: {  	[sflag:s30] =	ssyncset.done $0x0  }
0x10b: {  	[sflag:s30] =	ssyncadd.s32 $0xFFFFF000  }
0x10c: {  	_ =	swait.ge [sflag:s30], $0x1000  }
0x10d: {  	v5 =	vor.u32 s4, v1;
	[sflag:s30] =	ssyncset.done $0x0  }
0x10e: {  	v6 =	vor.u32 s21, v2;
	[sflag:s30] =	ssyncadd.s32 $0xFFFFF000  }
0x10f: {  	v7 =	vor.u32 s29, v1;
	_ =	swait.ge [sflag:s30], $0x1000  }
0x110: {  	v8 =	vor.u32 s29, v2;
	[sflag:s30] =	ssyncset.done $0x0  }
0x111: {  	v16 =	vor.u32 s21, v1;
	s29 =	simm.s32 $0x500;
	[sflag:s30] =	ssyncadd.s32 $0xFFFFF000  }
0x112: {  	v9 =	vor.u32 s10, v2;
	v10 =	vor.u32 s10, v1;
	s10 =	simm.s32 $0x3500;
	v5 =	vld.idx.msk [tilespmem:v5+s29+$0x0], $0xffff  }
0x113: {  	s2 =	simm.s32 $0x4500;
	v6 =	vld.idx.msk [tilespmem:v6+s10+$0x0], $0xffff  }
0x114: {  	v11 =	vor.u32 s28, v2;
	v7 =	vld.idx.msk [tilespmem:v7+s2+$0x0], $0xffff  }
0x115: {  	s1 =	sand.u32 $0x7F, s1;
	v12 =	vor.u32 s28, v1;
	v8 =	vld.idx.msk [tilespmem:v8+s2+$0x0], $0xffff  }
0x116: {  	v13 =	vor.u32 s1, v2;
	s2 =	simm.s32 $0x6500;
	v16 =	vld.idx.msk [tilespmem:v16+s10+$0x0], $0xffff  }
0x117: {  	v14 =	vor.u32 s1, v1;
	v9 =	vld.idx.msk [tilespmem:v9+s2+$0x0], $0xffff  }
0x118: {  	v15 =	vor.u32 s25, v1;
	v10 =	vld.idx.msk [tilespmem:v10+s2+$0x0], $0xffff;
	s2 =	simm.s32 $0x2500  }
0x119: {  	v17 =	vor.u32 s26, v1;
	v11 =	vld.idx.msk [tilespmem:v11+s2+$0x0], $0xffff  }
0x11a: {  	v18 =	vor.u32 s26, v2;
	v12 =	vld.idx.msk [tilespmem:v12+s2+$0x0], $0xffff;
	s2 =	simm.s32 $0x5500  }
0x11b: {  	v19 =	vor.u32 s4, v2;
	v13 =	vld.idx.msk [tilespmem:v13+s2+$0x0], $0xffff  }
0x11c: {  	v14 =	vld.idx.msk [tilespmem:v14+s2+$0x0], $0xffff;
	v5 =	vmul.f32 v7, v5;
	v7 =	vor.u32 s25, v2;
	s25 =	simm.s32 $0x1500  }
0x11d: {  	s10 =	simm.s32 $0x7500;
	v15 =	vld.idx.msk [tilespmem:v15+s25+$0x0], $0xffff  }
0x11e: {  	v9 =	vmul.f32 v9, v11;
	v11 =	vld.idx.msk [tilespmem:v17+s10+$0x0], $0xffff  }
0x11f: {  	s4 =	simm.s32 @!p1 $0x400;
	s26 =	smov.u32 s11;
	v10 =	vmul.f32 v10, v12;
	v12 =	vld.idx.msk [tilespmem:v18+s10+$0x0], $0xffff  }
0x120: {  	s21 =	simm.s32 @!p1 $0x7A1400;
	s1 =	simm.s32 @!p1 $0x500;
	s2 =	sadd.s32 @!p1 s26, s24;
	v17 =	vld.idx.msk [tilespmem:v19+s29+$0x0], $0xffff  }
0x121: {  	v7 =	vld.idx.msk [tilespmem:v7+s25+$0x0], $0xffff;
	[tilespmem:s1], [sflag:$0x1] =	stream.strided.gather @!p1 [hbm4b:s2+s4], $0x1000, s21, s4, $0x38  }
0x122: {  	s1 =	sadd.s32 @!p1 s12, s23;
	s2 =	simm.s32 @!p1 $0x4500  }
0x123: {  	[tilespmem:s2], [sflag:$0x1] =	stream.strided.gather @!p1 [hbm4b:s1+s4], $0x1000, s21, s4, $0x38;
	[tilespmem:$0x10700] =	vst v63  }
0x124: {  	v9 =	vadd.f32 v9, v10;
	s1 =	sadd.s32 @!p1 s26, s22;
	s2 =	simm.s32 @!p1 $0x1500  }
0x125: {  	[tilespmem:s2], [sflag:$0x1] =	stream.strided.gather @!p1 [hbm4b:s1+s4], $0x1000, s21, s4, $0x38;
	[tilespmem:$0x10700] =	vst v63  }
0x126: {  	v10 =	vmul.f32 v14, v15;
	(xrf2) =	vadd.scan.msk.f32 $0xffff, v9;
	s1 =	sadd.s32 @!p1 s12, s20;
	s2 =	simm.s32 @!p1 $0x5500;
	v7 =	vmul.f32 v13, v7  }
0x127: {  	[tilespmem:s2], [sflag:$0x1] =	stream.strided.gather @!p1 [hbm4b:s1+s4], $0x1000, s21, s4, $0x38;
	[tilespmem:$0x10700] =	vst v63  }
0x128: {  	s1 =	sadd.s32 @!p1 s26, s19;
	s2 =	simm.s32 @!p1 $0x2500;
	v7 =	vadd.f32 v7, v10  }
0x129: {  	v8 =	vmul.f32 v8, v17;
	[tilespmem:s2], [sflag:$0x1] =	stream.strided.gather @!p1 [hbm4b:s1+s4], $0x1000, s21, s4, $0x38;
	[tilespmem:$0x10700] =	vst v63  }
0x12a: {  	(xrf2) =	vadd.scan.msk.f32 $0xffff, v7  }
0x12b: {  	v5 =	vadd.f32 v8, v5;
	s1 =	sadd.s32 @!p1 s12, s18;
	s2 =	simm.s32 @!p1 $0x6500  }
0x12c: {  	v11 =	vmul.f32 v11, v16;
	v6 =	vmul.f32 v12, v6;
	[tilespmem:s2], [sflag:$0x1] =	stream.strided.gather @!p1 [hbm4b:s1+s4], $0x1000, s21, s4, $0x38;
	[tilespmem:$0x10700] =	vst v63  }
0x12d: {  	(xrf2) =	vadd.scan.msk.f32 $0xffff, v5  }
0x12e: {  	s16 =	sand.u32 @!p1 $0xFFFFF80, s16;
	v6 =	vadd.f32 v6, v11;
	s1 =	sadd.s32 @!p1 s26, s17;
	s2 =	simm.s32 @!p1 $0x3500  }
0x12f: {  	[tilespmem:s2], [sflag:$0x1] =	stream.strided.gather @!p1 [hbm4b:s1+s4], $0x1000, s21, s4, $0x38;
	[tilespmem:$0x10700] =	vst v63  }
0x130: {  	(xrf2) =	vadd.scan.msk.f32 $0xffff, v6;
	s1 =	sadd.s32 @!p1 s12, s16;
	s2 =	simm.s32 @!p1 $0x7500  }
0x131: {  	v5, _, _ =	vpop (xrf2);
	[tilespmem:s2], [sflag:$0x1] =	stream.strided.gather @!p1 [hbm4b:s1+s4], $0x1000, s21, s4, $0x38;
	[tilespmem:$0x10700] =	vst v63  }
0x132: {  	_ =	swait.ge [sflag:s31], $0x1000  }
0x133: {  	[sflag:s31] =	ssyncset.done $0x0  }
0x134: {  	[sflag:s31] =	ssyncadd.s32 $0xFFFFF000;
	v6, _, _ =	vpop (xrf2)  }
0x135: {  	s5 =	sadd.s32 $0x1, s5;
	_ =	swait.ge [sflag:s31], $0x1000  }
0x136: {  	s4 =	sand.u32 $0x1, s5;
	[sflag:s31] =	ssyncset.done $0x0  }
0x137: {  	s11 =	smov.u32 s12;
	s12 =	sshll.u32 s4, $0x3;
	v7, _, _ =	vpop (xrf2);
	[sflag:s31] =	ssyncadd.s32 $0xFFFFF000  }
0x138: {  	v8 =	vmov s12;
	v7 =	vbroadcast v7, $0xF;
	_ =	swait.ge [sflag:s31], $0x1000  }
0x139: {  	vm13 =	veq.s32 v8, v0;
	[sflag:s31] =	ssyncset.done $0x0  }
0x13a: {  	v7 =	vsel vm13, v7, v4;
	v4, _, _ =	vpop (xrf2);
	[sflag:s31] =	ssyncadd.s32 $0xFFFFF000  }
0x13b: {  	_ =	swait.ge [sflag:s31], $0x1000  }
0x13c: {  	[sflag:s31] =	ssyncset.done $0x0  }
0x13d: {  	[sflag:s31] =	ssyncadd.s32 $0xFFFFF000  }
0x13e: {  	_ =	swait.ge [sflag:s31], $0x1000  }
0x13f: {  	[sflag:s31] =	ssyncset.done $0x0  }
0x140: {  	[sflag:s31] =	ssyncadd.s32 $0xFFFFF000  }
0x141: {  	_ =	swait.ge [sflag:s31], $0x1000  }
0x142: {  	[sflag:s31] =	ssyncset.done $0x0  }
0x143: {  	[sflag:s31] =	ssyncadd.s32 $0xFFFFF000  }
0x144: {  	_ =	swait.ge [sflag:s31], $0x1000  }
0x145: {  	v11 =	vor.u32 s9, v2;
	[sflag:s31] =	ssyncset.done $0x0  }
0x146: {  	s3 =	sand.u32 $0x7F, s3;
	v12 =	vor.u32 s7, v2;
	[sflag:s31] =	ssyncadd.s32 $0xFFFFF000  }
0x147: {  	v13 =	vor.u32 s3, v1;
	_ =	swait.ge [sflag:s31], $0x1000  }
0x148: {  	v14 =	vor.u32 s7, v1;
	s20 =	simm.s32 $0xA500;
	[sflag:s31] =	ssyncset.done $0x0  }
0x149: {  	v15 =	vor.u32 s9, v1;
	s16 =	sor.u32 $0x1, s12;
	s19 =	sor.u32 $0x4, s12;
	[sflag:s31] =	ssyncadd.s32 $0xFFFFF000  }
0x14a: {  	s0 =	sadd.s32 $0x20, s0;
	v16 =	vor.u32 s3, v2;
	s18 =	sor.u32 $0x3, s12;
	v8 =	vmov s16;
	v9 =	vmov s19;
	s19 =	simm.s32 $0xD500;
	v11 =	vld.idx.msk [tilespmem:v11+s20+$0x0], $0xffff  }
0x14b: {  	p0 =	sne.s32 s0, $0x800;
	s15 =	sand.u32 $0x7F, s15;
	v17 =	vor.u32 s13, v1;
	vm14 =	veq.s32 v8, v0;
	v8 =	vmov s18;
	s18 =	simm.s32 $0x9500;
	v12 =	vld.idx.msk [tilespmem:v12+s19+$0x0], $0xffff  }
.Ltmp0:
0x14c: {  	v21 =	vor.u32 s15, v1;
	v22 =	vor.u32 s15, v2;
	s17 =	sor.u32 $0x2, s12;
	v13 =	vld.idx.msk [tilespmem:v13+s18+$0x0], $0xffff;
	(pc) =	sbr.rel @p0 .LBB2_2-.Ltmp0, $4  }
0x14d: {  	v10 =	vbroadcast v5, $0xF;
	v5 =	vmov s17;
	v6 =	vbroadcast v6, $0xF;
	v14 =	vld.idx.msk [tilespmem:v14+s19+$0x0], $0xffff  }
0x14e: {  	v20 =	vor.u32 s8, v1;
	v18 =	vor.u32 s13, v2;
	s21 =	sor.u32 $0x5, s12;
	s22 =	sor.u32 $0x6, s12;
	vm15 =	veq.s32 v5, v0;
	v15 =	vld.idx.msk [tilespmem:v15+s20+$0x0], $0xffff  }
0x14f: {  	s24 =	simm.s32 $0xE500;
	s1 =	sor.u32 $0x7, s12;
	v5 =	vmov s21;
	v6 =	vsel vm14, v6, v7;
	v7 =	vmov s22;
	s23 =	rddreg [dreg:$0x6];
	v16 =	vld.idx.msk [tilespmem:v16+s18+$0x0], $0xffff  }
0x150: {  	s14 =	sand.u32 $0x7F, s14;
	s28 =	simm.s32 $0x400;
	v10 =	vsel vm15, v10, v6;
	v6 =	vmov s1;
	s1 =	simm.s32 $0xE500;
	v19 =	vor.u32 s23, v2;
	v17 =	vld.idx.msk [tilespmem:v17+s24+$0x0], $0xffff  }
0x151: {  	_ =	sdelay $0x3  }
0x152: {  	v18 =	vld.idx.msk [tilespmem:v18+s1+$0x0], $0xffff;
	s0 =	simm.s32 $0x8500  }
0x153: {  	v23 =	vor.u32 s8, v2;
	v21 =	vld.idx.msk [tilespmem:v21+s0+$0x0], $0xffff  }
0x154: {  	v24 =	vor.u32 s14, v1;
	s16 =	simm.s32 $0xC500;
	v22 =	vld.idx.msk [tilespmem:v22+s0+$0x0], $0xffff  }
0x155: {  	v25 =	vor.u32 s14, v2;
	s17 =	simm.s32 $0xB500;
	v19 =	vld.idx.msk [tilespmem:v19+s16+$0x0], $0xffff  }
0x156: {  	v20 =	vld.idx.msk [tilespmem:v20+s17+$0x0], $0xffff  }
0x157: {  	v3 =	vld.idx.msk [tilespmem:v3+s16+$0x0], $0xffff  }
0x158: {  	s21 =	simm.s32 $0xF500;
	v23 =	vld.idx.msk [tilespmem:v23+s17+$0x0], $0xffff  }
0x159: {  	v24 =	vld.idx.msk [tilespmem:v24+s21+$0x0], $0xffff  }
0x15a: {  	v25 =	vld.idx.msk [tilespmem:v25+s21+$0x0], $0xffff;
	_ =	sdelay $0x2  }
0x15b: {  	v15 =	vmul.f32 v17, v15;
	v11 =	vmul.f32 v18, v11  }
0x15c: {  	v3 =	vmul.f32 v3, v21;
	v56 =	vmul.f32 v19, v22  }
0x15d: {  	v11 =	vadd.f32 v11, v15;
	v57 =	vmul.f32 v24, v20;
	v58 =	vmul.f32 v25, v23  }
0x15e: {  	v13 =	vmul.f32 v14, v13;
	v12 =	vmul.f32 v12, v16;
	v3 =	vadd.f32 v56, v3  }
0x15f: {  	(xrf2) =	vadd.scan.msk.f32 $0xffff, v11;
	v59 =	vadd.f32 v58, v57  }
0x160: {  	v12 =	vadd.f32 v12, v13;
	(xrf2) =	vadd.scan.msk.f32 $0xffff, v3  }
0x161: {  	(xrf2) =	vadd.scan.msk.f32 $0xffff, v59  }
0x162: {  	(xrf2) =	vadd.scan.msk.f32 $0xffff, v12;
	_ =	sdelay $0x6  }
0x163: {  	v3, _, _ =	vpop (xrf2)  }
0x164: {  	v60, _, _ =	vpop (xrf2)  }
0x165: {  	v4 =	vbroadcast v4, $0xF;
	v61, _, _ =	vpop (xrf2)  }
0x166: {  	vm0 =	veq.s32 v8, v0;
	v11 =	vbroadcast v60, $0xF;
	v62, _, _ =	vpop (xrf2)  }
0x167: {  	vm12 =	veq.s32 v9, v0;
	v4 =	vsel vm0, v4, v10;
	v8 =	vbroadcast v62, $0xF  }
0x168: {  	vm13 =	veq.s32 v5, v0;
	v3 =	vbroadcast v3, $0xF;
	v4 =	vsel vm12, v11, v4  }
0x169: {  	vm14 =	veq.s32 v7, v0;
	p0 =	seq.s32 s4, $0x0;
	v63 =	vbroadcast v61, $0xF;
	v4 =	vsel vm13, v8, v4  }
0x16a: {  	vm15 =	veq.s32 v6, v0;
	s0 =	sand.u32 @!p0 $0x7C0, s6;
	v3 =	vsel vm14, v3, v4  }
0x16b: {  	s12 =	simm.s32 $0x0;
	s0 =	sshrl.u32 @!p0 s0, $0x2;
	v3 =	vsel vm15, v63, v3  }
0x16c: {  	s22 =	rddreg [dreg:$0x9];
	s23 =	simm.s32 $0x10500;
	s1 =	simm.s32 $0x3;
	[tilespmem:s0+$0x10500] =	vst @!p0 v3  }
0x16d: {  	[hbm4b:s22+s12] =	stream.linear.scatter [tilespmem:s23], [sflag:$0x3], $0x200, $0x38;
	[tilespmem:$0x10700] =	vst v63  }
0x16e: {  	_ =	swait.ge [sflag:s1], $0x200  }
0x16f: {  	s2 =	rddreg [dreg:$0xb]  }
0x170: {  	s24 =	rddreg [dreg:$0xa];
	s2 =	sadd.s32 $0x1, s2  }
0x171: {  	p0 =	sne.s32 s2, s24  }
.Ltmp1:
0x172: {  	s13 =	simm.s32 $0x8500;
	(pc) =	sbr.rel @p0 .LBB2_1-.Ltmp1, $4  }
0x173: {  	s14 =	simm.s32 $0xC500;
	s15 =	simm.s32 $0xB500;
	s10 =	simm.s32 $0x7A1400  }
0x174: {  	s3 =	simm.s32 $0x4500;
	s4 =	simm.s32 $0x5500;
	s5 =	simm.s32 $0x2500  }
0x175: {  	s7 =	simm.s32 $0x3500;
	s8 =	simm.s32 $0x7500;
	[sflag:s1] =	ssyncset.done $0x0  }
0x176: {  	s6 =	simm.s32 $0x6500;
	s17 =	simm.s32 $0xF500;
	[sflag:s1] =	ssyncadd.s32 $0xFFFFFE00  }
0x177: {  	_ =	sfence.sel $0x180000  }
0x178: {  	[bflag:$0x0] =	sbarrier.arrive $0xFFFF  }
0x179: {  	_ =	strace $0x90000047  }
0x17a: {  	s0 =	stileid.u32;
	[bflag:$0x2] =	sbarrier.arrive $0xFFFF  }
0x17b: {  	p0 =	sne.s32 s0, $0x0;
	s0 =	rddreg [dreg:$0x5]  }
0x17c: {  	s0 =	sadd.s32 @!p0 $0x100000, s0  }
0x17d: {  	[sflag:s0] =	ssyncadd.tile.s32 @!p0 $0x1;
	_ =	shalt  }
.Lfunc_end2:
_tile_overlayer_lowered:
.L_overlay_start_2:
0x17e: {  	(tag) =	ssettag $0x2  }
0x17f: {  	s0 =	rddreg [dreg:$0x0];
	s2 =	stileid.u32  }
0x180: {  	s1 =	rddreg [dreg:$0x1];
	p0 =	sne.s32 s2, $0x0  }
0x181: {  	s3 =	rddreg [dreg:$0x2];
	[bflag:$0x3] =	sbarrier.arrive $0xFFFF;
	s2 =	simm.s32 @!p0 $0x1C03  }
0x182: {  	[timem:s3], [sflag:s2] =	dma.local @!p0 [hbm:s0], s1  }
0x183: {  	s0 =	simm.s32 @!p0 $0x3  }
0x184: {  	_ =	swait.ge @!p0 [sflag:s0], s1  }
0x185: {  	s1 =	ssub.s32 @!p0 $0x0, s1;
	[sflag:s0] =	ssyncset.done @!p0 $0x0  }
0x186: {  	[sflag:s0] =	ssyncadd.s32 @!p0 s1  }
0x187: {  	[bflag:$0x3] =	sbarrier.arrive $0xFFFF  }
0x188: {  	_ =	shalt  }

</sc_bundles>
